<compile_context>
chip_gen: v7x
topology: tpu7x:2x2x1
jax: 0.10.2.dev20260603
libtpu: 0.0.44.dev20260713+nightly
codegen_flags: <defaults>
</compile_context>

<pallas_src>
import functools

import jax
import jax.numpy as jnp
from jax import lax
from jax.experimental import pallas as pl
from jax.experimental.pallas import tpu as pltpu
from jax.experimental.pallas import tpu_sc as plsc

VOCAB = 1000000
EMBED_DIM = 64
LANES = 128
SBLK = 128


@functools.partial(jax.jit, static_argnums=(2, 3, 4))
def _sc_gather(ids_t, tbl2, n_workers, n_sent, n_words):
    mesh = plsc.VectorSubcoreMesh(core_axis_name="c", subcore_axis_name="s")
    num_cores = plsc.get_sparse_core_info().num_cores
    n_sblk = n_sent // SBLK

    @functools.partial(
        pl.kernel,
        mesh=mesh,
        compiler_params=pltpu.CompilerParams(
            use_tc_tiling_on_sc=True, needs_layout_passes=False
        ),
        out_type=jax.ShapeDtypeStruct(
            (n_words, EMBED_DIM // 8, n_sblk, 8, SBLK), jnp.float32
        ),
        scratch_types=[
            pltpu.VMEM((n_words, SBLK), jnp.int32),
            pltpu.VMEM((2, SBLK), jnp.int32),
            pltpu.VMEM((2, SBLK, LANES), jnp.float32),
            pltpu.VMEM((2, EMBED_DIM // 8, 8, SBLK), jnp.float32),
            pltpu.SemaphoreType.DMA,
            pltpu.SemaphoreType.DMA,
            pltpu.SemaphoreType.DMA,
            pltpu.SemaphoreType.DMA,
        ],
    )
    def k(ids_hbm, tbl_hbm, out_hbm, slab_v, idx_v, rows_v, tr_v, g0, g1, o0, o1):
        wid = lax.axis_index("s") * num_cores + lax.axis_index("c")
        soff = pl.multiple_of(wid * SBLK, SBLK)
        pltpu.sync_copy(ids_hbm.at[:, pl.ds(soff, SBLK)], slab_v)
        iota = lax.iota(jnp.int32, 16)
        rowsel = [iota + 16 * j for j in range(8)]
        gsem = [g0, g1]
        osem = [o0, o1]

        def extract_fire(w, b):
            for kk in range(8):
                idx_v[b, pl.ds(16 * kk, 16)] = slab_v[w, pl.ds(16 * kk, 16)]
            pltpu.async_copy(tbl_hbm.at[idx_v.at[b]], rows_v.at[b], gsem[b])

        def wait_gather(b):
            pltpu.make_async_copy(
                tbl_hbm.at[idx_v.at[b]], rows_v.at[b], gsem[b]
            ).wait()

        def wait_out(b, w):
            pltpu.make_async_copy(
                tr_v.at[b], out_hbm.at[w, :, wid], osem[b]
            ).wait()

        def transpose(b):
            rows_b = rows_v.at[b]
            tr_b = tr_v.at[b]

            @plsc.parallel_loop(0, EMBED_DIM, unroll=4)
            def dim(d):
                dh = d // 8
                dl = d - 8 * dh
                col = jnp.broadcast_to(d, (16,))
                for j in range(8):
                    val = plsc.load_gather(rows_b, [rowsel[j], col])
                    tr_b[dh, dl, pl.ds(16 * j, 16)] = val

        extract_fire(0, 0)

        def pair(t, carry):
            w0 = 2 * t
            extract_fire(w0 + 1, 1)
            wait_gather(0)

            @pl.when(t > 0)
            def _():
                wait_out(0, w0)

            transpose(0)
            pltpu.async_copy(tr_v.at[0], out_hbm.at[w0, :, wid], osem[0])

            @pl.when(w0 + 2 < n_words)
            def _():
                extract_fire(w0 + 2, 0)

            wait_gather(1)

            @pl.when(t > 0)
            def _():
                wait_out(1, w0 + 1)

            transpose(1)
            pltpu.async_copy(tr_v.at[1], out_hbm.at[w0 + 1, :, wid], osem[1])
            return carry

        lax.fori_loop(0, n_words // 2, pair, 0)
        wait_out(0, 0)
        wait_out(1, 0)

    return k(ids_t, tbl2)


def kernel(input_ids, table):
    S, W = input_ids.shape
    info = plsc.get_sparse_core_info()
    n_workers = info.num_cores * info.num_subcores
    tbl2 = jnp.pad(table, ((0, 0), (0, LANES - EMBED_DIM)))
    out5 = _sc_gather(input_ids.T, tbl2, n_workers, S, W)
    return out5.transpose(2, 4, 0, 1, 3).reshape(S, W, EMBED_DIM)

# --- scband reference (transcript-rebuilt; emitter-appended) ---
"""Pipeline reference for scband-embedding-layer-3006477107323 (READ-ONLY COPY).

The authoritative reference and input builder live on the scoring server;
editing this copy changes nothing except your own understanding.
"""

import jax, jax.numpy as jnp
import numpy as np

VOCAB = 1000000
EMBED_DIM = 64
PADDING_IDX = 0

def setup_inputs(seed: int = 0) -> dict:
    key = jax.random.key(seed)
    k1, k2 = jax.random.split(key)
    input_ids = jax.random.randint(k1, (4096, 50), 0, VOCAB, dtype=jnp.int64 if jax.config.jax_enable_x64 else jnp.int32)
    table = jax.random.normal(k2, (VOCAB, EMBED_DIM), dtype=jnp.float32)
    # nn.Embedding with padding_idx zeroes that row at init
    table = table.at[PADDING_IDX].set(0.0)
    return {"input_ids": input_ids, "table": table}

def reference(input_ids, table):
    # Faithful to nn.Embedding(..., padding_idx=0): row gather from table.
    # Enforce padding row = 0 (as nn.Embedding keeps it zero / never updates it).
    tbl = table.at[PADDING_IDX].set(0.0)
    return jnp.take(tbl, input_ids, axis=0)

if __name__ == "__main__":
    import jax
    _d = setup_inputs()
    print(jax.jit(kernel)(*tuple(_d.values())))

</pallas_src>

<mosaic_0001>
#map = affine_map<(d0, d1) -> (0, 0)>
#map1 = affine_map<(d0, d1) -> (0, 0, 0, 0, 0)>
module attributes {stable_mosaic.version = 14 : i64} {
  func.func @k(%arg0: i32, %arg1: i32, %arg2: memref<50x4096xi32, #tpu.memory_space<hbm>>, %arg3: memref<1000000x128xf32, #tpu.memory_space<hbm>>, %arg4: memref<50x8x32x8x128xf32, #tpu.memory_space<hbm>>, %arg5: memref<50x128xi32, #tpu.memory_space<vmem>>, %arg6: memref<2x128xi32, #tpu.memory_space<vmem>>, %arg7: memref<2x128x128xf32, #tpu.memory_space<vmem>>, %arg8: memref<2x8x8x128xf32, #tpu.memory_space<vmem>>, %arg9: memref<!tpu.dma_semaphore, #tpu.memory_space<semaphore_mem>>, %arg10: memref<!tpu.dma_semaphore, #tpu.memory_space<semaphore_mem>>, %arg11: memref<!tpu.dma_semaphore, #tpu.memory_space<semaphore_mem>>, %arg12: memref<!tpu.dma_semaphore, #tpu.memory_space<semaphore_mem>>) attributes {dimension_semantics = [#tpu.dimension_semantics<core_parallel>, #tpu.dimension_semantics<subcore_parallel>], iteration_bounds = array<i64: 2, 16>, scalar_prefetch = 0 : i64, scratch_operands = 8 : i64, tpu.core_type = #tpu.core_type<sc_vector_subcore>, window_params = [{transform_indices = #map}, {transform_indices = #map}, {transform_indices = #map1}]} {
    %mul3A = arith.constant 2 : i32
    %mul3A_0 = arith.muli %arg1, %mul3A : i32
    %add3A = arith.addi %mul3A_0, %arg0 : i32
    %mul3A_1 = arith.constant 128 : i32
    %mul3A_2 = arith.muli %add3A, %mul3A_1 : i32
    %multiple_of3A = tpu.assume_multiple %mul3A_2, 128 : i32
    "tpu.region"() ({
      %run_scoped3A = tpu.sem_alloc : memref<!tpu.dma_semaphore, #tpu.memory_space<semaphore_mem>>
      %dma_start3A_148 = arith.constant 0 : i32
      %dma_start3A_149 = tpu.memref_slice %arg2[%dma_start3A_148, %multiple_of3A] : memref<50x4096xi32, #tpu.memory_space<hbm>> -> memref<50x128xi32, #tpu.memory_space<hbm>>
      %dma_start3A_150 = arith.constant 0 : i32
      %dma_start3A_151 = tpu.memref_slice %arg2[%dma_start3A_150, %multiple_of3A] : memref<50x4096xi32, #tpu.memory_space<hbm>> -> memref<50x128xi32, #tpu.memory_space<hbm>>
      tpu.enqueue_dma source(%dma_start3A_151 : memref<50x128xi32, #tpu.memory_space<hbm>>) target(%arg5 : memref<50x128xi32, #tpu.memory_space<vmem>>) target_semaphore(%run_scoped3A : memref<!tpu.dma_semaphore, #tpu.memory_space<semaphore_mem>>)
      %dma_wait3A_152 = arith.constant 0 : i32
      %dma_wait3A_153 = tpu.memref_slice %arg2[%dma_wait3A_152, %multiple_of3A] : memref<50x4096xi32, #tpu.memory_space<hbm>> -> memref<50x128xi32, #tpu.memory_space<hbm>>
      %dma_wait3A_154 = arith.constant 0 : i32
      %dma_wait3A_155 = tpu.memref_slice %arg2[%dma_wait3A_154, %multiple_of3A] : memref<50x4096xi32, #tpu.memory_space<hbm>> -> memref<50x128xi32, #tpu.memory_space<hbm>>
      tpu.wait_dma2 semaphore(%run_scoped3A : memref<!tpu.dma_semaphore, #tpu.memory_space<semaphore_mem>>) src(%dma_wait3A_155 : memref<50x128xi32, #tpu.memory_space<hbm>>) dst(%arg5 : memref<50x128xi32, #tpu.memory_space<vmem>>)
      tpu.yield
    }) : () -> ()
    %iota3A = tpu.iota {dimensions = array<i32: 0>} : vector<16xi32>
    %add3A_3 = arith.constant 0 : i32
    %add3A_4 = vector.broadcast %add3A_3 : i32 to vector<16xi32>
    %add3A_5 = arith.addi %iota3A, %add3A_4 : vector<16xi32>
    %add3A_6 = arith.constant 16 : i32
    %add3A_7 = vector.broadcast %add3A_6 : i32 to vector<16xi32>
    %add3A_8 = arith.addi %iota3A, %add3A_7 : vector<16xi32>
    %add3A_9 = arith.constant 32 : i32
    %add3A_10 = vector.broadcast %add3A_9 : i32 to vector<16xi32>
    %add3A_11 = arith.addi %iota3A, %add3A_10 : vector<16xi32>
    %add3A_12 = arith.constant 48 : i32
    %add3A_13 = vector.broadcast %add3A_12 : i32 to vector<16xi32>
    %add3A_14 = arith.addi %iota3A, %add3A_13 : vector<16xi32>
    %add3A_15 = arith.constant 64 : i32
    %add3A_16 = vector.broadcast %add3A_15 : i32 to vector<16xi32>
    %add3A_17 = arith.addi %iota3A, %add3A_16 : vector<16xi32>
    %add3A_18 = arith.constant 80 : i32
    %add3A_19 = vector.broadcast %add3A_18 : i32 to vector<16xi32>
    %add3A_20 = arith.addi %iota3A, %add3A_19 : vector<16xi32>
    %add3A_21 = arith.constant 96 : i32
    %add3A_22 = vector.broadcast %add3A_21 : i32 to vector<16xi32>
    %add3A_23 = arith.addi %iota3A, %add3A_22 : vector<16xi32>
    %add3A_24 = arith.constant 112 : i32
    %add3A_25 = vector.broadcast %add3A_24 : i32 to vector<16xi32>
    %add3A_26 = arith.addi %iota3A, %add3A_25 : vector<16xi32>
    %get3A = arith.constant 0 : i32
    %get3A_27 = arith.index_cast %get3A : i32 to index
    %get3A_28 = arith.constant 0 : index
    %get3A_29 = tpu.vector_load %arg5[%get3A_27, %get3A_28] {strides = array<i32>} : memref<50x128xi32, #tpu.memory_space<vmem>>, vector<16xi32>,
    %swap3A = arith.constant 0 : i32
    %swap3A_30 = arith.index_cast %swap3A : i32 to index
    %swap3A_31 = arith.constant 0 : index
    %swap3A_32 = tpu.vector_load %arg6[%swap3A_30, %swap3A_31] {strides = array<i32>} : memref<2x128xi32, #tpu.memory_space<vmem>>, vector<16xi32>,
    tpu.vector_store %arg6[%swap3A_30, %swap3A_31], %get3A_29 {strides = array<i32>} : memref<2x128xi32, #tpu.memory_space<vmem>>, vector<16xi32>,
    %get3A_33 = arith.constant 0 : i32
    %get3A_34 = arith.index_cast %get3A_33 : i32 to index
    %get3A_35 = arith.constant 16 : index
    %get3A_36 = tpu.vector_load %arg5[%get3A_34, %get3A_35] {strides = array<i32>} : memref<50x128xi32, #tpu.memory_space<vmem>>, vector<16xi32>,
    %swap3A_37 = arith.constant 0 : i32
    %swap3A_38 = arith.index_cast %swap3A_37 : i32 to index
    %swap3A_39 = arith.constant 16 : index
    %swap3A_40 = tpu.vector_load %arg6[%swap3A_38, %swap3A_39] {strides = array<i32>} : memref<2x128xi32, #tpu.memory_space<vmem>>, vector<16xi32>,
    tpu.vector_store %arg6[%swap3A_38, %swap3A_39], %get3A_36 {strides = array<i32>} : memref<2x128xi32, #tpu.memory_space<vmem>>, vector<16xi32>,
    %get3A_41 = arith.constant 0 : i32
    %get3A_42 = arith.index_cast %get3A_41 : i32 to index
    %get3A_43 = arith.constant 32 : index
    %get3A_44 = tpu.vector_load %arg5[%get3A_42, %get3A_43] {strides = array<i32>} : memref<50x128xi32, #tpu.memory_space<vmem>>, vector<16xi32>,
    %swap3A_45 = arith.constant 0 : i32
    %swap3A_46 = arith.index_cast %swap3A_45 : i32 to index
    %swap3A_47 = arith.constant 32 : index
    %swap3A_48 = tpu.vector_load %arg6[%swap3A_46, %swap3A_47] {strides = array<i32>} : memref<2x128xi32, #tpu.memory_space<vmem>>, vector<16xi32>,
    tpu.vector_store %arg6[%swap3A_46, %swap3A_47], %get3A_44 {strides = array<i32>} : memref<2x128xi32, #tpu.memory_space<vmem>>, vector<16xi32>,
    %get3A_49 = arith.constant 0 : i32
    %get3A_50 = arith.index_cast %get3A_49 : i32 to index
    %get3A_51 = arith.constant 48 : index
    %get3A_52 = tpu.vector_load %arg5[%get3A_50, %get3A_51] {strides = array<i32>} : memref<50x128xi32, #tpu.memory_space<vmem>>, vector<16xi32>,
    %swap3A_53 = arith.constant 0 : i32
    %swap3A_54 = arith.index_cast %swap3A_53 : i32 to index
    %swap3A_55 = arith.constant 48 : index
    %swap3A_56 = tpu.vector_load %arg6[%swap3A_54, %swap3A_55] {strides = array<i32>} : memref<2x128xi32, #tpu.memory_space<vmem>>, vector<16xi32>,
    tpu.vector_store %arg6[%swap3A_54, %swap3A_55], %get3A_52 {strides = array<i32>} : memref<2x128xi32, #tpu.memory_space<vmem>>, vector<16xi32>,
    %get3A_57 = arith.constant 0 : i32
    %get3A_58 = arith.index_cast %get3A_57 : i32 to index
    %get3A_59 = arith.constant 64 : index
    %get3A_60 = tpu.vector_load %arg5[%get3A_58, %get3A_59] {strides = array<i32>} : memref<50x128xi32, #tpu.memory_space<vmem>>, vector<16xi32>,
    %swap3A_61 = arith.constant 0 : i32
    %swap3A_62 = arith.index_cast %swap3A_61 : i32 to index
    %swap3A_63 = arith.constant 64 : index
    %swap3A_64 = tpu.vector_load %arg6[%swap3A_62, %swap3A_63] {strides = array<i32>} : memref<2x128xi32, #tpu.memory_space<vmem>>, vector<16xi32>,
    tpu.vector_store %arg6[%swap3A_62, %swap3A_63], %get3A_60 {strides = array<i32>} : memref<2x128xi32, #tpu.memory_space<vmem>>, vector<16xi32>,
    %get3A_65 = arith.constant 0 : i32
    %get3A_66 = arith.index_cast %get3A_65 : i32 to index
    %get3A_67 = arith.constant 80 : index
    %get3A_68 = tpu.vector_load %arg5[%get3A_66, %get3A_67] {strides = array<i32>} : memref<50x128xi32, #tpu.memory_space<vmem>>, vector<16xi32>,
    %swap3A_69 = arith.constant 0 : i32
    %swap3A_70 = arith.index_cast %swap3A_69 : i32 to index
    %swap3A_71 = arith.constant 80 : index
    %swap3A_72 = tpu.vector_load %arg6[%swap3A_70, %swap3A_71] {strides = array<i32>} : memref<2x128xi32, #tpu.memory_space<vmem>>, vector<16xi32>,
    tpu.vector_store %arg6[%swap3A_70, %swap3A_71], %get3A_68 {strides = array<i32>} : memref<2x128xi32, #tpu.memory_space<vmem>>, vector<16xi32>,
    %get3A_73 = arith.constant 0 : i32
    %get3A_74 = arith.index_cast %get3A_73 : i32 to index
    %get3A_75 = arith.constant 96 : index
    %get3A_76 = tpu.vector_load %arg5[%get3A_74, %get3A_75] {strides = array<i32>} : memref<50x128xi32, #tpu.memory_space<vmem>>, vector<16xi32>,
    %swap3A_77 = arith.constant 0 : i32
    %swap3A_78 = arith.index_cast %swap3A_77 : i32 to index
    %swap3A_79 = arith.constant 96 : index
    %swap3A_80 = tpu.vector_load %arg6[%swap3A_78, %swap3A_79] {strides = array<i32>} : memref<2x128xi32, #tpu.memory_space<vmem>>, vector<16xi32>,
    tpu.vector_store %arg6[%swap3A_78, %swap3A_79], %get3A_76 {strides = array<i32>} : memref<2x128xi32, #tpu.memory_space<vmem>>, vector<16xi32>,
    %get3A_81 = arith.constant 0 : i32
    %get3A_82 = arith.index_cast %get3A_81 : i32 to index
    %get3A_83 = arith.constant 112 : index
    %get3A_84 = tpu.vector_load %arg5[%get3A_82, %get3A_83] {strides = array<i32>} : memref<50x128xi32, #tpu.memory_space<vmem>>, vector<16xi32>,
    %swap3A_85 = arith.constant 0 : i32
    %swap3A_86 = arith.index_cast %swap3A_85 : i32 to index
    %swap3A_87 = arith.constant 112 : index
    %swap3A_88 = tpu.vector_load %arg6[%swap3A_86, %swap3A_87] {strides = array<i32>} : memref<2x128xi32, #tpu.memory_space<vmem>>, vector<16xi32>,
    tpu.vector_store %arg6[%swap3A_86, %swap3A_87], %get3A_84 {strides = array<i32>} : memref<2x128xi32, #tpu.memory_space<vmem>>, vector<16xi32>,
    %dma_start3A = arith.constant 0 : i32
    %dma_start3A_89 = arith.constant 0 : i32
    %dma_start3A_90 = arith.constant 0 : i32
    %dma_start3A_91 = arith.constant 0 : i32
    %dma_start3A_92 = tpu.memref_slice %arg7[%dma_start3A_89, %dma_start3A_90, %dma_start3A_91] : memref<2x128x128xf32, #tpu.memory_space<vmem>> -> memref<1x128x128xf32, #tpu.memory_space<vmem>>
    %dma_start3A_93 = tpu.memref_squeeze %dma_start3A_92 : memref<1x128x128xf32, #tpu.memory_space<vmem>> -> memref<128x128xf32, #tpu.memory_space<vmem>>
    %dma_start3A_94 = arith.constant 0 : i32
    %dma_start3A_95 = tpu.memref_slice %arg6[%dma_start3A, %dma_start3A_94] : memref<2x128xi32, #tpu.memory_space<vmem>> -> memref<1x128xi32, #tpu.memory_space<vmem>>
    %dma_start3A_96 = tpu.memref_squeeze %dma_start3A_95 : memref<1x128xi32, #tpu.memory_space<vmem>> -> memref<128xi32, #tpu.memory_space<vmem>>
    %dma_start3A_97 = arith.constant 0 : i32
    %dma_start3A_98 = arith.constant 0 : i32
    %dma_start3A_99 = tpu.memref_slice %arg3[%dma_start3A_97, %dma_start3A_98] : memref<1000000x128xf32, #tpu.memory_space<hbm>> -> memref<1000000x128xf32, #tpu.memory_space<hbm>>
    tpu.enqueue_indirect_dma source(%dma_start3A_99 : memref<1000000x128xf32, #tpu.memory_space<hbm>>) target(%dma_start3A_93 : memref<128x128xf32, #tpu.memory_space<vmem>>) offsets(%dma_start3A_96 : memref<128xi32, #tpu.memory_space<vmem>>) semaphore(%arg9 : memref<!tpu.dma_semaphore, #tpu.memory_space<semaphore_mem>>)
    %scan3A = arith.constant 0 : i32
    %scan3A_100 = arith.constant 0 : i32
    %scan3A_101 = arith.constant 25 : i32
    %scan3A_102 = arith.addi %scan3A_100, %scan3A_101 : i32
    %scan3A_103 = arith.constant 1 : i32
    scf.for %scan3A_148 = %scan3A_100 to %scan3A_102 step %scan3A_103  : i32 {
      %mul3A_149 = arith.constant 2 : i32
      %mul3A_150 = arith.muli %mul3A_149, %scan3A_148 : i32
      %add3A_151 = arith.constant 1 : i32
      %add3A_152 = arith.addi %mul3A_150, %add3A_151 : i32
      %get3A_153 = arith.index_cast %add3A_152 : i32 to index
      %get3A_154 = arith.constant 0 : index
      %get3A_155 = tpu.vector_load %arg5[%get3A_153, %get3A_154] {strides = array<i32>} : memref<50x128xi32, #tpu.memory_space<vmem>>, vector<16xi32>,
      %swap3A_156 = arith.constant 1 : i32
      %swap3A_157 = arith.index_cast %swap3A_156 : i32 to index
      %swap3A_158 = arith.constant 0 : index
      %swap3A_159 = tpu.vector_load %arg6[%swap3A_157, %swap3A_158] {strides = array<i32>} : memref<2x128xi32, #tpu.memory_space<vmem>>, vector<16xi32>,
      tpu.vector_store %arg6[%swap3A_157, %swap3A_158], %get3A_155 {strides = array<i32>} : memref<2x128xi32, #tpu.memory_space<vmem>>, vector<16xi32>,
      %get3A_160 = arith.index_cast %add3A_152 : i32 to index
      %get3A_161 = arith.constant 16 : index
      %get3A_162 = tpu.vector_load %arg5[%get3A_160, %get3A_161] {strides = array<i32>} : memref<50x128xi32, #tpu.memory_space<vmem>>, vector<16xi32>,
      %swap3A_163 = arith.constant 1 : i32
      %swap3A_164 = arith.index_cast %swap3A_163 : i32 to index
      %swap3A_165 = arith.constant 16 : index
      %swap3A_166 = tpu.vector_load %arg6[%swap3A_164, %swap3A_165] {strides = array<i32>} : memref<2x128xi32, #tpu.memory_space<vmem>>, vector<16xi32>,
      tpu.vector_store %arg6[%swap3A_164, %swap3A_165], %get3A_162 {strides = array<i32>} : memref<2x128xi32, #tpu.memory_space<vmem>>, vector<16xi32>,
      %get3A_167 = arith.index_cast %add3A_152 : i32 to index
      %get3A_168 = arith.constant 32 : index
      %get3A_169 = tpu.vector_load %arg5[%get3A_167, %get3A_168] {strides = array<i32>} : memref<50x128xi32, #tpu.memory_space<vmem>>, vector<16xi32>,
      %swap3A_170 = arith.constant 1 : i32
      %swap3A_171 = arith.index_cast %swap3A_170 : i32 to index
      %swap3A_172 = arith.constant 32 : index
      %swap3A_173 = tpu.vector_load %arg6[%swap3A_171, %swap3A_172] {strides = array<i32>} : memref<2x128xi32, #tpu.memory_space<vmem>>, vector<16xi32>,
      tpu.vector_store %arg6[%swap3A_171, %swap3A_172], %get3A_169 {strides = array<i32>} : memref<2x128xi32, #tpu.memory_space<vmem>>, vector<16xi32>,
      %get3A_174 = arith.index_cast %add3A_152 : i32 to index
      %get3A_175 = arith.constant 48 : index
      %get3A_176 = tpu.vector_load %arg5[%get3A_174, %get3A_175] {strides = array<i32>} : memref<50x128xi32, #tpu.memory_space<vmem>>, vector<16xi32>,
      %swap3A_177 = arith.constant 1 : i32
      %swap3A_178 = arith.index_cast %swap3A_177 : i32 to index
      %swap3A_179 = arith.constant 48 : index
      %swap3A_180 = tpu.vector_load %arg6[%swap3A_178, %swap3A_179] {strides = array<i32>} : memref<2x128xi32, #tpu.memory_space<vmem>>, vector<16xi32>,
      tpu.vector_store %arg6[%swap3A_178, %swap3A_179], %get3A_176 {strides = array<i32>} : memref<2x128xi32, #tpu.memory_space<vmem>>, vector<16xi32>,
      %get3A_181 = arith.index_cast %add3A_152 : i32 to index
      %get3A_182 = arith.constant 64 : index
      %get3A_183 = tpu.vector_load %arg5[%get3A_181, %get3A_182] {strides = array<i32>} : memref<50x128xi32, #tpu.memory_space<vmem>>, vector<16xi32>,
      %swap3A_184 = arith.constant 1 : i32
      %swap3A_185 = arith.index_cast %swap3A_184 : i32 to index
      %swap3A_186 = arith.constant 64 : index
      %swap3A_187 = tpu.vector_load %arg6[%swap3A_185, %swap3A_186] {strides = array<i32>} : memref<2x128xi32, #tpu.memory_space<vmem>>, vector<16xi32>,
      tpu.vector_store %arg6[%swap3A_185, %swap3A_186], %get3A_183 {strides = array<i32>} : memref<2x128xi32, #tpu.memory_space<vmem>>, vector<16xi32>,
      %get3A_188 = arith.index_cast %add3A_152 : i32 to index
      %get3A_189 = arith.constant 80 : index
      %get3A_190 = tpu.vector_load %arg5[%get3A_188, %get3A_189] {strides = array<i32>} : memref<50x128xi32, #tpu.memory_space<vmem>>, vector<16xi32>,
      %swap3A_191 = arith.constant 1 : i32
      %swap3A_192 = arith.index_cast %swap3A_191 : i32 to index
      %swap3A_193 = arith.constant 80 : index
      %swap3A_194 = tpu.vector_load %arg6[%swap3A_192, %swap3A_193] {strides = array<i32>} : memref<2x128xi32, #tpu.memory_space<vmem>>, vector<16xi32>,
      tpu.vector_store %arg6[%swap3A_192, %swap3A_193], %get3A_190 {strides = array<i32>} : memref<2x128xi32, #tpu.memory_space<vmem>>, vector<16xi32>,
      %get3A_195 = arith.index_cast %add3A_152 : i32 to index
      %get3A_196 = arith.constant 96 : index
      %get3A_197 = tpu.vector_load %arg5[%get3A_195, %get3A_196] {strides = array<i32>} : memref<50x128xi32, #tpu.memory_space<vmem>>, vector<16xi32>,
      %swap3A_198 = arith.constant 1 : i32
      %swap3A_199 = arith.index_cast %swap3A_198 : i32 to index
      %swap3A_200 = arith.constant 96 : index
      %swap3A_201 = tpu.vector_load %arg6[%swap3A_199, %swap3A_200] {strides = array<i32>} : memref<2x128xi32, #tpu.memory_space<vmem>>, vector<16xi32>,
      tpu.vector_store %arg6[%swap3A_199, %swap3A_200], %get3A_197 {strides = array<i32>} : memref<2x128xi32, #tpu.memory_space<vmem>>, vector<16xi32>,
      %get3A_202 = arith.index_cast %add3A_152 : i32 to index
      %get3A_203 = arith.constant 112 : index
      %get3A_204 = tpu.vector_load %arg5[%get3A_202, %get3A_203] {strides = array<i32>} : memref<50x128xi32, #tpu.memory_space<vmem>>, vector<16xi32>,
      %swap3A_205 = arith.constant 1 : i32
      %swap3A_206 = arith.index_cast %swap3A_205 : i32 to index
      %swap3A_207 = arith.constant 112 : index
      %swap3A_208 = tpu.vector_load %arg6[%swap3A_206, %swap3A_207] {strides = array<i32>} : memref<2x128xi32, #tpu.memory_space<vmem>>, vector<16xi32>,
      tpu.vector_store %arg6[%swap3A_206, %swap3A_207], %get3A_204 {strides = array<i32>} : memref<2x128xi32, #tpu.memory_space<vmem>>, vector<16xi32>,
      %dma_start3A_209 = arith.constant 1 : i32
      %dma_start3A_210 = arith.constant 1 : i32
      %dma_start3A_211 = arith.constant 0 : i32
      %dma_start3A_212 = arith.constant 0 : i32
      %dma_start3A_213 = tpu.memref_slice %arg7[%dma_start3A_210, %dma_start3A_211, %dma_start3A_212] : memref<2x128x128xf32, #tpu.memory_space<vmem>> -> memref<1x128x128xf32, #tpu.memory_space<vmem>>
      %dma_start3A_214 = tpu.memref_squeeze %dma_start3A_213 : memref<1x128x128xf32, #tpu.memory_space<vmem>> -> memref<128x128xf32, #tpu.memory_space<vmem>>
      %dma_start3A_215 = arith.constant 0 : i32
      %dma_start3A_216 = tpu.memref_slice %arg6[%dma_start3A_209, %dma_start3A_215] : memref<2x128xi32, #tpu.memory_space<vmem>> -> memref<1x128xi32, #tpu.memory_space<vmem>>
      %dma_start3A_217 = tpu.memref_squeeze %dma_start3A_216 : memref<1x128xi32, #tpu.memory_space<vmem>> -> memref<128xi32, #tpu.memory_space<vmem>>
      %dma_start3A_218 = arith.constant 0 : i32
      %dma_start3A_219 = arith.constant 0 : i32
      %dma_start3A_220 = tpu.memref_slice %arg3[%dma_start3A_218, %dma_start3A_219] : memref<1000000x128xf32, #tpu.memory_space<hbm>> -> memref<1000000x128xf32, #tpu.memory_space<hbm>>
      tpu.enqueue_indirect_dma source(%dma_start3A_220 : memref<1000000x128xf32, #tpu.memory_space<hbm>>) target(%dma_start3A_214 : memref<128x128xf32, #tpu.memory_space<vmem>>) offsets(%dma_start3A_217 : memref<128xi32, #tpu.memory_space<vmem>>) semaphore(%arg10 : memref<!tpu.dma_semaphore, #tpu.memory_space<semaphore_mem>>)
      %dma_wait3A_221 = arith.constant 0 : i32
      %dma_wait3A_222 = arith.constant 0 : i32
      %dma_wait3A_223 = arith.constant 0 : i32
      %dma_wait3A_224 = arith.constant 0 : i32
      %dma_wait3A_225 = tpu.memref_slice %arg7[%dma_wait3A_222, %dma_wait3A_223, %dma_wait3A_224] : memref<2x128x128xf32, #tpu.memory_space<vmem>> -> memref<1x128x128xf32, #tpu.memory_space<vmem>>
      %dma_wait3A_226 = tpu.memref_squeeze %dma_wait3A_225 : memref<1x128x128xf32, #tpu.memory_space<vmem>> -> memref<128x128xf32, #tpu.memory_space<vmem>>
      %dma_wait3A_227 = arith.constant 0 : i32
      %dma_wait3A_228 = tpu.memref_slice %arg6[%dma_wait3A_221, %dma_wait3A_227] : memref<2x128xi32, #tpu.memory_space<vmem>> -> memref<1x128xi32, #tpu.memory_space<vmem>>
      %dma_wait3A_229 = tpu.memref_squeeze %dma_wait3A_228 : memref<1x128xi32, #tpu.memory_space<vmem>> -> memref<128xi32, #tpu.memory_space<vmem>>
      %dma_wait3A_230 = arith.constant 0 : i32
      %dma_wait3A_231 = arith.constant 0 : i32
      %dma_wait3A_232 = tpu.memref_slice %arg3[%dma_wait3A_230, %dma_wait3A_231] : memref<1000000x128xf32, #tpu.memory_space<hbm>> -> memref<1000000x128xf32, #tpu.memory_space<hbm>>
      tpu.wait_indirect_dma semaphore(%arg9 : memref<!tpu.dma_semaphore, #tpu.memory_space<semaphore_mem>>) src(%dma_wait3A_232 : memref<1000000x128xf32, #tpu.memory_space<hbm>>) dst(%dma_wait3A_226 : memref<128x128xf32, #tpu.memory_space<vmem>>)
      %gt3A = arith.constant 0 : i32
      %gt3A_233 = arith.cmpi sgt, %scan3A_148, %gt3A : i32
      %convert_element_type3A = arith.extui %gt3A_233 : i1 to i32
      %cond3A = arith.constant 0 : i32
      %cond3A_234 = arith.cmpi ne, %convert_element_type3A, %cond3A : i32
      scf.if %cond3A_234 {
        %dma_wait3A_311 = arith.constant 0 : i32
        %dma_wait3A_312 = arith.constant 0 : i32
        %dma_wait3A_313 = arith.constant 0 : i32
        %dma_wait3A_314 = arith.constant 0 : i32
        %dma_wait3A_315 = tpu.memref_slice %arg8[%dma_wait3A_311, %dma_wait3A_312, %dma_wait3A_313, %dma_wait3A_314] : memref<2x8x8x128xf32, #tpu.memory_space<vmem>> -> memref<1x8x8x128xf32, #tpu.memory_space<vmem>>
        %dma_wait3A_316 = tpu.memref_squeeze %dma_wait3A_315 : memref<1x8x8x128xf32, #tpu.memory_space<vmem>> -> memref<8x8x128xf32, #tpu.memory_space<vmem>>
        %dma_wait3A_317 = arith.constant 0 : i32
        %dma_wait3A_318 = arith.constant 0 : i32
        %dma_wait3A_319 = arith.constant 0 : i32
        %dma_wait3A_320 = tpu.memref_slice %arg4[%mul3A_150, %dma_wait3A_317, %add3A, %dma_wait3A_318, %dma_wait3A_319] : memref<50x8x32x8x128xf32, #tpu.memory_space<hbm>> -> memref<1x8x1x8x128xf32, #tpu.memory_space<hbm>>
        %dma_wait3A_321 = tpu.memref_squeeze %dma_wait3A_320 : memref<1x8x1x8x128xf32, #tpu.memory_space<hbm>> -> memref<8x8x128xf32, #tpu.memory_space<hbm>>
        %dma_wait3A_322 = arith.constant 0 : i32
        %dma_wait3A_323 = arith.constant 0 : i32
        %dma_wait3A_324 = arith.constant 0 : i32
        %dma_wait3A_325 = tpu.memref_slice %arg4[%mul3A_150, %dma_wait3A_322, %add3A, %dma_wait3A_323, %dma_wait3A_324] : memref<50x8x32x8x128xf32, #tpu.memory_space<hbm>> -> memref<1x8x1x8x128xf32, #tpu.memory_space<hbm>>
        %dma_wait3A_326 = tpu.memref_squeeze %dma_wait3A_325 : memref<1x8x1x8x128xf32, #tpu.memory_space<hbm>> -> memref<8x8x128xf32, #tpu.memory_space<hbm>>
        %dma_wait3A_327 = arith.constant 0 : i32
        %dma_wait3A_328 = arith.constant 0 : i32
        %dma_wait3A_329 = arith.constant 0 : i32
        %dma_wait3A_330 = tpu.memref_slice %arg8[%dma_wait3A_311, %dma_wait3A_327, %dma_wait3A_328, %dma_wait3A_329] : memref<2x8x8x128xf32, #tpu.memory_space<vmem>> -> memref<1x8x8x128xf32, #tpu.memory_space<vmem>>
        %dma_wait3A_331 = tpu.memref_squeeze %dma_wait3A_330 : memref<1x8x8x128xf32, #tpu.memory_space<vmem>> -> memref<8x8x128xf32, #tpu.memory_space<vmem>>
        tpu.wait_dma2 semaphore(%arg11 : memref<!tpu.dma_semaphore, #tpu.memory_space<semaphore_mem>>) src(%dma_wait3A_331 : memref<8x8x128xf32, #tpu.memory_space<vmem>>) dst(%dma_wait3A_326 : memref<8x8x128xf32, #tpu.memory_space<hbm>>)
      } else {
      }
      %parallel_loop3A = arith.constant 0 : i32
      %parallel_loop3A_235 = arith.constant 64 : i32
      %parallel_loop3A_236 = arith.constant 1 : i32
      %parallel_loop3A_237 = arith.constant 0 : i32
      %parallel_loop3A_238 = arith.constant 0 : i32
      scf.for %parallel_loop3A_311 = %parallel_loop3A to %parallel_loop3A_235 step %parallel_loop3A_236  : i32 {
        %parallel_loop3A_312 = arith.constant 8 : i32
        %parallel_loop3A_313 = arith.divsi %parallel_loop3A_311, %parallel_loop3A_312 : i32
        %parallel_loop3A_314 = arith.constant 0 : i32
        %parallel_loop3A_315 = arith.cmpi sgt, %parallel_loop3A_311, %parallel_loop3A_314 : i32
        %parallel_loop3A_316 = arith.extui %parallel_loop3A_315 : i1 to i32
        %parallel_loop3A_317 = arith.constant 0 : i32
        %parallel_loop3A_318 = arith.cmpi slt, %parallel_loop3A_311, %parallel_loop3A_317 : i32
        %parallel_loop3A_319 = arith.extui %parallel_loop3A_318 : i1 to i32
        %parallel_loop3A_320 = arith.subi %parallel_loop3A_316, %parallel_loop3A_319 : i32
        %parallel_loop3A_321 = arith.constant 0 : i32
        %parallel_loop3A_322 = arith.cmpi sgt, %parallel_loop3A_312, %parallel_loop3A_321 : i32
        %parallel_loop3A_323 = arith.extui %parallel_loop3A_322 : i1 to i32
        %parallel_loop3A_324 = arith.constant 0 : i32
        %parallel_loop3A_325 = arith.cmpi slt, %parallel_loop3A_312, %parallel_loop3A_324 : i32
        %parallel_loop3A_326 = arith.extui %parallel_loop3A_325 : i1 to i32
        %parallel_loop3A_327 = arith.subi %parallel_loop3A_323, %parallel_loop3A_326 : i32
        %parallel_loop3A_328 = arith.cmpi ne, %parallel_loop3A_320, %parallel_loop3A_327 : i32
        %parallel_loop3A_329 = arith.remsi %parallel_loop3A_311, %parallel_loop3A_312 : i32
        %parallel_loop3A_330 = arith.constant 0 : i32
        %parallel_loop3A_331 = arith.cmpi ne, %parallel_loop3A_329, %parallel_loop3A_330 : i32
        %parallel_loop3A_332 = arith.andi %parallel_loop3A_328, %parallel_loop3A_331 : i1
        %parallel_loop3A_333 = arith.constant 1 : i32
        %parallel_loop3A_334 = arith.subi %parallel_loop3A_313, %parallel_loop3A_333 : i32
        %parallel_loop3A_335 = arith.select %parallel_loop3A_332, %parallel_loop3A_334, %parallel_loop3A_313 : i32
        %parallel_loop3A_336 = arith.constant 8 : i32
        %parallel_loop3A_337 = arith.muli %parallel_loop3A_336, %parallel_loop3A_335 : i32
        %parallel_loop3A_338 = arith.subi %parallel_loop3A_311, %parallel_loop3A_337 : i32
        %parallel_loop3A_339 = vector.broadcast %parallel_loop3A_311 : i32 to vector<16xi32>
        %parallel_loop3A_340 = arith.constant 0 : i32
        %parallel_loop3A_341 = arith.constant 0 : i32
        %parallel_loop3A_342 = tpu.memref_slice %arg7[%parallel_loop3A_237, %parallel_loop3A_340, %parallel_loop3A_341] : memref<2x128x128xf32, #tpu.memory_space<vmem>> -> memref<1x128x128xf32, #tpu.memory_space<vmem>>
        %parallel_loop3A_343 = tpu.memref_squeeze %parallel_loop3A_342 : memref<1x128x128xf32, #tpu.memory_space<vmem>> -> memref<128x128xf32, #tpu.memory_space<vmem>>
        %parallel_loop3A_344 = tpu.vector_load_idx %parallel_loop3A_343[%add3A_5, %parallel_loop3A_339] : memref<128x128xf32, #tpu.memory_space<vmem>>[vector<16xi32>, vector<16xi32>], vector<16xf32>,
        %parallel_loop3A_345 = arith.constant 0 : i32
        %parallel_loop3A_346 = arith.constant 0 : i32
        %parallel_loop3A_347 = arith.constant 0 : i32
        %parallel_loop3A_348 = tpu.memref_slice %arg8[%parallel_loop3A_238, %parallel_loop3A_345, %parallel_loop3A_346, %parallel_loop3A_347] : memref<2x8x8x128xf32, #tpu.memory_space<vmem>> -> memref<1x8x8x128xf32, #tpu.memory_space<vmem>>
        %parallel_loop3A_349 = tpu.memref_squeeze %parallel_loop3A_348 : memref<1x8x8x128xf32, #tpu.memory_space<vmem>> -> memref<8x8x128xf32, #tpu.memory_space<vmem>>
        %parallel_loop3A_350 = arith.index_cast %parallel_loop3A_335 : i32 to index
        %parallel_loop3A_351 = arith.index_cast %parallel_loop3A_338 : i32 to index
        %parallel_loop3A_352 = arith.constant 0 : index
        %parallel_loop3A_353 = tpu.vector_load %parallel_loop3A_349[%parallel_loop3A_350, %parallel_loop3A_351, %parallel_loop3A_352] {strides = array<i32>} : memref<8x8x128xf32, #tpu.memory_space<vmem>>, vector<16xf32>,
        tpu.vector_store %parallel_loop3A_349[%parallel_loop3A_350, %parallel_loop3A_351, %parallel_loop3A_352], %parallel_loop3A_344 {strides = array<i32>} : memref<8x8x128xf32, #tpu.memory_space<vmem>>, vector<16xf32>,
        %parallel_loop3A_354 = arith.constant 0 : i32
        %parallel_loop3A_355 = arith.constant 0 : i32
        %parallel_loop3A_356 = tpu.memref_slice %arg7[%parallel_loop3A_237, %parallel_loop3A_354, %parallel_loop3A_355] : memref<2x128x128xf32, #tpu.memory_space<vmem>> -> memref<1x128x128xf32, #tpu.memory_space<vmem>>
        %parallel_loop3A_357 = tpu.memref_squeeze %parallel_loop3A_356 : memref<1x128x128xf32, #tpu.memory_space<vmem>> -> memref<128x128xf32, #tpu.memory_space<vmem>>
        %parallel_loop3A_358 = tpu.vector_load_idx %parallel_loop3A_357[%add3A_8, %parallel_loop3A_339] : memref<128x128xf32, #tpu.memory_space<vmem>>[vector<16xi32>, vector<16xi32>], vector<16xf32>,
        %parallel_loop3A_359 = arith.constant 0 : i32
        %parallel_loop3A_360 = arith.constant 0 : i32
        %parallel_loop3A_361 = arith.constant 0 : i32
        %parallel_loop3A_362 = tpu.memref_slice %arg8[%parallel_loop3A_238, %parallel_loop3A_359, %parallel_loop3A_360, %parallel_loop3A_361] : memref<2x8x8x128xf32, #tpu.memory_space<vmem>> -> memref<1x8x8x128xf32, #tpu.memory_space<vmem>>
        %parallel_loop3A_363 = tpu.memref_squeeze %parallel_loop3A_362 : memref<1x8x8x128xf32, #tpu.memory_space<vmem>> -> memref<8x8x128xf32, #tpu.memory_space<vmem>>
        %parallel_loop3A_364 = arith.index_cast %parallel_loop3A_335 : i32 to index
        %parallel_loop3A_365 = arith.index_cast %parallel_loop3A_338 : i32 to index
        %parallel_loop3A_366 = arith.constant 16 : index
        %parallel_loop3A_367 = tpu.vector_load %parallel_loop3A_363[%parallel_loop3A_364, %parallel_loop3A_365, %parallel_loop3A_366] {strides = array<i32>} : memref<8x8x128xf32, #tpu.memory_space<vmem>>, vector<16xf32>,
        tpu.vector_store %parallel_loop3A_363[%parallel_loop3A_364, %parallel_loop3A_365, %parallel_loop3A_366], %parallel_loop3A_358 {strides = array<i32>} : memref<8x8x128xf32, #tpu.memory_space<vmem>>, vector<16xf32>,
        %parallel_loop3A_368 = arith.constant 0 : i32
        %parallel_loop3A_369 = arith.constant 0 : i32
        %parallel_loop3A_370 = tpu.memref_slice %arg7[%parallel_loop3A_237, %parallel_loop3A_368, %parallel_loop3A_369] : memref<2x128x128xf32, #tpu.memory_space<vmem>> -> memref<1x128x128xf32, #tpu.memory_space<vmem>>
        %parallel_loop3A_371 = tpu.memref_squeeze %parallel_loop3A_370 : memref<1x128x128xf32, #tpu.memory_space<vmem>> -> memref<128x128xf32, #tpu.memory_space<vmem>>
        %parallel_loop3A_372 = tpu.vector_load_idx %parallel_loop3A_371[%add3A_11, %parallel_loop3A_339] : memref<128x128xf32, #tpu.memory_space<vmem>>[vector<16xi32>, vector<16xi32>], vector<16xf32>,
        %parallel_loop3A_373 = arith.constant 0 : i32
        %parallel_loop3A_374 = arith.constant 0 : i32
        %parallel_loop3A_375 = arith.constant 0 : i32
        %parallel_loop3A_376 = tpu.memref_slice %arg8[%parallel_loop3A_238, %parallel_loop3A_373, %parallel_loop3A_374, %parallel_loop3A_375] : memref<2x8x8x128xf32, #tpu.memory_space<vmem>> -> memref<1x8x8x128xf32, #tpu.memory_space<vmem>>
        %parallel_loop3A_377 = tpu.memref_squeeze %parallel_loop3A_376 : memref<1x8x8x128xf32, #tpu.memory_space<vmem>> -> memref<8x8x128xf32, #tpu.memory_space<vmem>>
        %parallel_loop3A_378 = arith.index_cast %parallel_loop3A_335 : i32 to index
        %parallel_loop3A_379 = arith.index_cast %parallel_loop3A_338 : i32 to index
        %parallel_loop3A_380 = arith.constant 32 : index
        %parallel_loop3A_381 = tpu.vector_load %parallel_loop3A_377[%parallel_loop3A_378, %parallel_loop3A_379, %parallel_loop3A_380] {strides = array<i32>} : memref<8x8x128xf32, #tpu.memory_space<vmem>>, vector<16xf32>,
        tpu.vector_store %parallel_loop3A_377[%parallel_loop3A_378, %parallel_loop3A_379, %parallel_loop3A_380], %parallel_loop3A_372 {strides = array<i32>} : memref<8x8x128xf32, #tpu.memory_space<vmem>>, vector<16xf32>,
        %parallel_loop3A_382 = arith.constant 0 : i32
        %parallel_loop3A_383 = arith.constant 0 : i32
        %parallel_loop3A_384 = tpu.memref_slice %arg7[%parallel_loop3A_237, %parallel_loop3A_382, %parallel_loop3A_383] : memref<2x128x128xf32, #tpu.memory_space<vmem>> -> memref<1x128x128xf32, #tpu.memory_space<vmem>>
        %parallel_loop3A_385 = tpu.memref_squeeze %parallel_loop3A_384 : memref<1x128x128xf32, #tpu.memory_space<vmem>> -> memref<128x128xf32, #tpu.memory_space<vmem>>
        %parallel_loop3A_386 = tpu.vector_load_idx %parallel_loop3A_385[%add3A_14, %parallel_loop3A_339] : memref<128x128xf32, #tpu.memory_space<vmem>>[vector<16xi32>, vector<16xi32>], vector<16xf32>,
        %parallel_loop3A_387 = arith.constant 0 : i32
        %parallel_loop3A_388 = arith.constant 0 : i32
        %parallel_loop3A_389 = arith.constant 0 : i32
        %parallel_loop3A_390 = tpu.memref_slice %arg8[%parallel_loop3A_238, %parallel_loop3A_387, %parallel_loop3A_388, %parallel_loop3A_389] : memref<2x8x8x128xf32, #tpu.memory_space<vmem>> -> memref<1x8x8x128xf32, #tpu.memory_space<vmem>>
        %parallel_loop3A_391 = tpu.memref_squeeze %parallel_loop3A_390 : memref<1x8x8x128xf32, #tpu.memory_space<vmem>> -> memref<8x8x128xf32, #tpu.memory_space<vmem>>
        %parallel_loop3A_392 = arith.index_cast %parallel_loop3A_335 : i32 to index
        %parallel_loop3A_393 = arith.index_cast %parallel_loop3A_338 : i32 to index
        %parallel_loop3A_394 = arith.constant 48 : index
        %parallel_loop3A_395 = tpu.vector_load %parallel_loop3A_391[%parallel_loop3A_392, %parallel_loop3A_393, %parallel_loop3A_394] {strides = array<i32>} : memref<8x8x128xf32, #tpu.memory_space<vmem>>, vector<16xf32>,
        tpu.vector_store %parallel_loop3A_391[%parallel_loop3A_392, %parallel_loop3A_393, %parallel_loop3A_394], %parallel_loop3A_386 {strides = array<i32>} : memref<8x8x128xf32, #tpu.memory_space<vmem>>, vector<16xf32>,
        %parallel_loop3A_396 = arith.constant 0 : i32
        %parallel_loop3A_397 = arith.constant 0 : i32
        %parallel_loop3A_398 = tpu.memref_slice %arg7[%parallel_loop3A_237, %parallel_loop3A_396, %parallel_loop3A_397] : memref<2x128x128xf32, #tpu.memory_space<vmem>> -> memref<1x128x128xf32, #tpu.memory_space<vmem>>
        %parallel_loop3A_399 = tpu.memref_squeeze %parallel_loop3A_398 : memref<1x128x128xf32, #tpu.memory_space<vmem>> -> memref<128x128xf32, #tpu.memory_space<vmem>>
        %parallel_loop3A_400 = tpu.vector_load_idx %parallel_loop3A_399[%add3A_17, %parallel_loop3A_339] : memref<128x128xf32, #tpu.memory_space<vmem>>[vector<16xi32>, vector<16xi32>], vector<16xf32>,
        %parallel_loop3A_401 = arith.constant 0 : i32
        %parallel_loop3A_402 = arith.constant 0 : i32
        %parallel_loop3A_403 = arith.constant 0 : i32
        %parallel_loop3A_404 = tpu.memref_slice %arg8[%parallel_loop3A_238, %parallel_loop3A_401, %parallel_loop3A_402, %parallel_loop3A_403] : memref<2x8x8x128xf32, #tpu.memory_space<vmem>> -> memref<1x8x8x128xf32, #tpu.memory_space<vmem>>
        %parallel_loop3A_405 = tpu.memref_squeeze %parallel_loop3A_404 : memref<1x8x8x128xf32, #tpu.memory_space<vmem>> -> memref<8x8x128xf32, #tpu.memory_space<vmem>>
        %parallel_loop3A_406 = arith.index_cast %parallel_loop3A_335 : i32 to index
        %parallel_loop3A_407 = arith.index_cast %parallel_loop3A_338 : i32 to index
        %parallel_loop3A_408 = arith.constant 64 : index
        %parallel_loop3A_409 = tpu.vector_load %parallel_loop3A_405[%parallel_loop3A_406, %parallel_loop3A_407, %parallel_loop3A_408] {strides = array<i32>} : memref<8x8x128xf32, #tpu.memory_space<vmem>>, vector<16xf32>,
        tpu.vector_store %parallel_loop3A_405[%parallel_loop3A_406, %parallel_loop3A_407, %parallel_loop3A_408], %parallel_loop3A_400 {strides = array<i32>} : memref<8x8x128xf32, #tpu.memory_space<vmem>>, vector<16xf32>,
        %parallel_loop3A_410 = arith.constant 0 : i32
        %parallel_loop3A_411 = arith.constant 0 : i32
        %parallel_loop3A_412 = tpu.memref_slice %arg7[%parallel_loop3A_237, %parallel_loop3A_410, %parallel_loop3A_411] : memref<2x128x128xf32, #tpu.memory_space<vmem>> -> memref<1x128x128xf32, #tpu.memory_space<vmem>>
        %parallel_loop3A_413 = tpu.memref_squeeze %parallel_loop3A_412 : memref<1x128x128xf32, #tpu.memory_space<vmem>> -> memref<128x128xf32, #tpu.memory_space<vmem>>
        %parallel_loop3A_414 = tpu.vector_load_idx %parallel_loop3A_413[%add3A_20, %parallel_loop3A_339] : memref<128x128xf32, #tpu.memory_space<vmem>>[vector<16xi32>, vector<16xi32>], vector<16xf32>,
        %parallel_loop3A_415 = arith.constant 0 : i32
        %parallel_loop3A_416 = arith.constant 0 : i32
        %parallel_loop3A_417 = arith.constant 0 : i32
        %parallel_loop3A_418 = tpu.memref_slice %arg8[%parallel_loop3A_238, %parallel_loop3A_415, %parallel_loop3A_416, %parallel_loop3A_417] : memref<2x8x8x128xf32, #tpu.memory_space<vmem>> -> memref<1x8x8x128xf32, #tpu.memory_space<vmem>>
        %parallel_loop3A_419 = tpu.memref_squeeze %parallel_loop3A_418 : memref<1x8x8x128xf32, #tpu.memory_space<vmem>> -> memref<8x8x128xf32, #tpu.memory_space<vmem>>
        %parallel_loop3A_420 = arith.index_cast %parallel_loop3A_335 : i32 to index
        %parallel_loop3A_421 = arith.index_cast %parallel_loop3A_338 : i32 to index
        %parallel_loop3A_422 = arith.constant 80 : index
        %parallel_loop3A_423 = tpu.vector_load %parallel_loop3A_419[%parallel_loop3A_420, %parallel_loop3A_421, %parallel_loop3A_422] {strides = array<i32>} : memref<8x8x128xf32, #tpu.memory_space<vmem>>, vector<16xf32>,
        tpu.vector_store %parallel_loop3A_419[%parallel_loop3A_420, %parallel_loop3A_421, %parallel_loop3A_422], %parallel_loop3A_414 {strides = array<i32>} : memref<8x8x128xf32, #tpu.memory_space<vmem>>, vector<16xf32>,
        %parallel_loop3A_424 = arith.constant 0 : i32
        %parallel_loop3A_425 = arith.constant 0 : i32
        %parallel_loop3A_426 = tpu.memref_slice %arg7[%parallel_loop3A_237, %parallel_loop3A_424, %parallel_loop3A_425] : memref<2x128x128xf32, #tpu.memory_space<vmem>> -> memref<1x128x128xf32, #tpu.memory_space<vmem>>
        %parallel_loop3A_427 = tpu.memref_squeeze %parallel_loop3A_426 : memref<1x128x128xf32, #tpu.memory_space<vmem>> -> memref<128x128xf32, #tpu.memory_space<vmem>>
        %parallel_loop3A_428 = tpu.vector_load_idx %parallel_loop3A_427[%add3A_23, %parallel_loop3A_339] : memref<128x128xf32, #tpu.memory_space<vmem>>[vector<16xi32>, vector<16xi32>], vector<16xf32>,
        %parallel_loop3A_429 = arith.constant 0 : i32
        %parallel_loop3A_430 = arith.constant 0 : i32
        %parallel_loop3A_431 = arith.constant 0 : i32
        %parallel_loop3A_432 = tpu.memref_slice %arg8[%parallel_loop3A_238, %parallel_loop3A_429, %parallel_loop3A_430, %parallel_loop3A_431] : memref<2x8x8x128xf32, #tpu.memory_space<vmem>> -> memref<1x8x8x128xf32, #tpu.memory_space<vmem>>
        %parallel_loop3A_433 = tpu.memref_squeeze %parallel_loop3A_432 : memref<1x8x8x128xf32, #tpu.memory_space<vmem>> -> memref<8x8x128xf32, #tpu.memory_space<vmem>>
        %parallel_loop3A_434 = arith.index_cast %parallel_loop3A_335 : i32 to index
        %parallel_loop3A_435 = arith.index_cast %parallel_loop3A_338 : i32 to index
        %parallel_loop3A_436 = arith.constant 96 : index
        %parallel_loop3A_437 = tpu.vector_load %parallel_loop3A_433[%parallel_loop3A_434, %parallel_loop3A_435, %parallel_loop3A_436] {strides = array<i32>} : memref<8x8x128xf32, #tpu.memory_space<vmem>>, vector<16xf32>,
        tpu.vector_store %parallel_loop3A_433[%parallel_loop3A_434, %parallel_loop3A_435, %parallel_loop3A_436], %parallel_loop3A_428 {strides = array<i32>} : memref<8x8x128xf32, #tpu.memory_space<vmem>>, vector<16xf32>,
        %parallel_loop3A_438 = arith.constant 0 : i32
        %parallel_loop3A_439 = arith.constant 0 : i32
        %parallel_loop3A_440 = tpu.memref_slice %arg7[%parallel_loop3A_237, %parallel_loop3A_438, %parallel_loop3A_439] : memref<2x128x128xf32, #tpu.memory_space<vmem>> -> memref<1x128x128xf32, #tpu.memory_space<vmem>>
        %parallel_loop3A_441 = tpu.memref_squeeze %parallel_loop3A_440 : memref<1x128x128xf32, #tpu.memory_space<vmem>> -> memref<128x128xf32, #tpu.memory_space<vmem>>
        %parallel_loop3A_442 = tpu.vector_load_idx %parallel_loop3A_441[%add3A_26, %parallel_loop3A_339] : memref<128x128xf32, #tpu.memory_space<vmem>>[vector<16xi32>, vector<16xi32>], vector<16xf32>,
        %parallel_loop3A_443 = arith.constant 0 : i32
        %parallel_loop3A_444 = arith.constant 0 : i32
        %parallel_loop3A_445 = arith.constant 0 : i32
        %parallel_loop3A_446 = tpu.memref_slice %arg8[%parallel_loop3A_238, %parallel_loop3A_443, %parallel_loop3A_444, %parallel_loop3A_445] : memref<2x8x8x128xf32, #tpu.memory_space<vmem>> -> memref<1x8x8x128xf32, #tpu.memory_space<vmem>>
        %parallel_loop3A_447 = tpu.memref_squeeze %parallel_loop3A_446 : memref<1x8x8x128xf32, #tpu.memory_space<vmem>> -> memref<8x8x128xf32, #tpu.memory_space<vmem>>
        %parallel_loop3A_448 = arith.index_cast %parallel_loop3A_335 : i32 to index
        %parallel_loop3A_449 = arith.index_cast %parallel_loop3A_338 : i32 to index
        %parallel_loop3A_450 = arith.constant 112 : index
        %parallel_loop3A_451 = tpu.vector_load %parallel_loop3A_447[%parallel_loop3A_448, %parallel_loop3A_449, %parallel_loop3A_450] {strides = array<i32>} : memref<8x8x128xf32, #tpu.memory_space<vmem>>, vector<16xf32>,
        tpu.vector_store %parallel_loop3A_447[%parallel_loop3A_448, %parallel_loop3A_449, %parallel_loop3A_450], %parallel_loop3A_442 {strides = array<i32>} : memref<8x8x128xf32, #tpu.memory_space<vmem>>, vector<16xf32>,
      } {sc.loop_unroll_factor = 4 : i64, sc.parallel_access}
      %dma_start3A_239 = arith.constant 0 : i32
      %dma_start3A_240 = arith.constant 0 : i32
      %dma_start3A_241 = arith.constant 0 : i32
      %dma_start3A_242 = arith.constant 0 : i32
      %dma_start3A_243 = tpu.memref_slice %arg8[%dma_start3A_239, %dma_start3A_240, %dma_start3A_241, %dma_start3A_242] : memref<2x8x8x128xf32, #tpu.memory_space<vmem>> -> memref<1x8x8x128xf32, #tpu.memory_space<vmem>>
      %dma_start3A_244 = tpu.memref_squeeze %dma_start3A_243 : memref<1x8x8x128xf32, #tpu.memory_space<vmem>> -> memref<8x8x128xf32, #tpu.memory_space<vmem>>
      %dma_start3A_245 = arith.constant 0 : i32
      %dma_start3A_246 = arith.constant 0 : i32
      %dma_start3A_247 = arith.constant 0 : i32
      %dma_start3A_248 = tpu.memref_slice %arg4[%mul3A_150, %dma_start3A_245, %add3A, %dma_start3A_246, %dma_start3A_247] : memref<50x8x32x8x128xf32, #tpu.memory_space<hbm>> -> memref<1x8x1x8x128xf32, #tpu.memory_space<hbm>>
      %dma_start3A_249 = tpu.memref_squeeze %dma_start3A_248 : memref<1x8x1x8x128xf32, #tpu.memory_space<hbm>> -> memref<8x8x128xf32, #tpu.memory_space<hbm>>
      %dma_start3A_250 = arith.constant 0 : i32
      %dma_start3A_251 = arith.constant 0 : i32
      %dma_start3A_252 = arith.constant 0 : i32
      %dma_start3A_253 = tpu.memref_slice %arg4[%mul3A_150, %dma_start3A_250, %add3A, %dma_start3A_251, %dma_start3A_252] : memref<50x8x32x8x128xf32, #tpu.memory_space<hbm>> -> memref<1x8x1x8x128xf32, #tpu.memory_space<hbm>>
      %dma_start3A_254 = tpu.memref_squeeze %dma_start3A_253 : memref<1x8x1x8x128xf32, #tpu.memory_space<hbm>> -> memref<8x8x128xf32, #tpu.memory_space<hbm>>
      %dma_start3A_255 = arith.constant 0 : i32
      %dma_start3A_256 = arith.constant 0 : i32
      %dma_start3A_257 = arith.constant 0 : i32
      %dma_start3A_258 = tpu.memref_slice %arg8[%dma_start3A_239, %dma_start3A_255, %dma_start3A_256, %dma_start3A_257] : memref<2x8x8x128xf32, #tpu.memory_space<vmem>> -> memref<1x8x8x128xf32, #tpu.memory_space<vmem>>
      %dma_start3A_259 = tpu.memref_squeeze %dma_start3A_258 : memref<1x8x8x128xf32, #tpu.memory_space<vmem>> -> memref<8x8x128xf32, #tpu.memory_space<vmem>>
      tpu.enqueue_dma source(%dma_start3A_259 : memref<8x8x128xf32, #tpu.memory_space<vmem>>) target(%dma_start3A_254 : memref<8x8x128xf32, #tpu.memory_space<hbm>>) target_semaphore(%arg11 : memref<!tpu.dma_semaphore, #tpu.memory_space<semaphore_mem>>)
      %add3A_260 = arith.constant 2 : i32
      %add3A_261 = arith.addi %mul3A_150, %add3A_260 : i32
      %lt3A = arith.constant 50 : i32
      %lt3A_262 = arith.cmpi slt, %add3A_261, %lt3A : i32
      %convert_element_type3A_263 = arith.extui %lt3A_262 : i1 to i32
      %cond3A_264 = arith.constant 0 : i32
      %cond3A_265 = arith.cmpi ne, %convert_element_type3A_263, %cond3A_264 : i32
      scf.if %cond3A_265 {
        %add3A_311 = arith.constant 2 : i32
        %add3A_312 = arith.addi %mul3A_150, %add3A_311 : i32
        %get3A_313 = arith.index_cast %add3A_312 : i32 to index
        %get3A_314 = arith.constant 0 : index
        %get3A_315 = tpu.vector_load %arg5[%get3A_313, %get3A_314] {strides = array<i32>} : memref<50x128xi32, #tpu.memory_space<vmem>>, vector<16xi32>,
        %swap3A_316 = arith.constant 0 : i32
        %swap3A_317 = arith.index_cast %swap3A_316 : i32 to index
        %swap3A_318 = arith.constant 0 : index
        %swap3A_319 = tpu.vector_load %arg6[%swap3A_317, %swap3A_318] {strides = array<i32>} : memref<2x128xi32, #tpu.memory_space<vmem>>, vector<16xi32>,
        tpu.vector_store %arg6[%swap3A_317, %swap3A_318], %get3A_315 {strides = array<i32>} : memref<2x128xi32, #tpu.memory_space<vmem>>, vector<16xi32>,
        %get3A_320 = arith.index_cast %add3A_312 : i32 to index
        %get3A_321 = arith.constant 16 : index
        %get3A_322 = tpu.vector_load %arg5[%get3A_320, %get3A_321] {strides = array<i32>} : memref<50x128xi32, #tpu.memory_space<vmem>>, vector<16xi32>,
        %swap3A_323 = arith.constant 0 : i32
        %swap3A_324 = arith.index_cast %swap3A_323 : i32 to index
        %swap3A_325 = arith.constant 16 : index
        %swap3A_326 = tpu.vector_load %arg6[%swap3A_324, %swap3A_325] {strides = array<i32>} : memref<2x128xi32, #tpu.memory_space<vmem>>, vector<16xi32>,
        tpu.vector_store %arg6[%swap3A_324, %swap3A_325], %get3A_322 {strides = array<i32>} : memref<2x128xi32, #tpu.memory_space<vmem>>, vector<16xi32>,
        %get3A_327 = arith.index_cast %add3A_312 : i32 to index
        %get3A_328 = arith.constant 32 : index
        %get3A_329 = tpu.vector_load %arg5[%get3A_327, %get3A_328] {strides = array<i32>} : memref<50x128xi32, #tpu.memory_space<vmem>>, vector<16xi32>,
        %swap3A_330 = arith.constant 0 : i32
        %swap3A_331 = arith.index_cast %swap3A_330 : i32 to index
        %swap3A_332 = arith.constant 32 : index
        %swap3A_333 = tpu.vector_load %arg6[%swap3A_331, %swap3A_332] {strides = array<i32>} : memref<2x128xi32, #tpu.memory_space<vmem>>, vector<16xi32>,
        tpu.vector_store %arg6[%swap3A_331, %swap3A_332], %get3A_329 {strides = array<i32>} : memref<2x128xi32, #tpu.memory_space<vmem>>, vector<16xi32>,
        %get3A_334 = arith.index_cast %add3A_312 : i32 to index
        %get3A_335 = arith.constant 48 : index
        %get3A_336 = tpu.vector_load %arg5[%get3A_334, %get3A_335] {strides = array<i32>} : memref<50x128xi32, #tpu.memory_space<vmem>>, vector<16xi32>,
        %swap3A_337 = arith.constant 0 : i32
        %swap3A_338 = arith.index_cast %swap3A_337 : i32 to index
        %swap3A_339 = arith.constant 48 : index
        %swap3A_340 = tpu.vector_load %arg6[%swap3A_338, %swap3A_339] {strides = array<i32>} : memref<2x128xi32, #tpu.memory_space<vmem>>, vector<16xi32>,
        tpu.vector_store %arg6[%swap3A_338, %swap3A_339], %get3A_336 {strides = array<i32>} : memref<2x128xi32, #tpu.memory_space<vmem>>, vector<16xi32>,
        %get3A_341 = arith.index_cast %add3A_312 : i32 to index
        %get3A_342 = arith.constant 64 : index
        %get3A_343 = tpu.vector_load %arg5[%get3A_341, %get3A_342] {strides = array<i32>} : memref<50x128xi32, #tpu.memory_space<vmem>>, vector<16xi32>,
        %swap3A_344 = arith.constant 0 : i32
        %swap3A_345 = arith.index_cast %swap3A_344 : i32 to index
        %swap3A_346 = arith.constant 64 : index
        %swap3A_347 = tpu.vector_load %arg6[%swap3A_345, %swap3A_346] {strides = array<i32>} : memref<2x128xi32, #tpu.memory_space<vmem>>, vector<16xi32>,
        tpu.vector_store %arg6[%swap3A_345, %swap3A_346], %get3A_343 {strides = array<i32>} : memref<2x128xi32, #tpu.memory_space<vmem>>, vector<16xi32>,
        %get3A_348 = arith.index_cast %add3A_312 : i32 to index
        %get3A_349 = arith.constant 80 : index
        %get3A_350 = tpu.vector_load %arg5[%get3A_348, %get3A_349] {strides = array<i32>} : memref<50x128xi32, #tpu.memory_space<vmem>>, vector<16xi32>,
        %swap3A_351 = arith.constant 0 : i32
        %swap3A_352 = arith.index_cast %swap3A_351 : i32 to index
        %swap3A_353 = arith.constant 80 : index
        %swap3A_354 = tpu.vector_load %arg6[%swap3A_352, %swap3A_353] {strides = array<i32>} : memref<2x128xi32, #tpu.memory_space<vmem>>, vector<16xi32>,
        tpu.vector_store %arg6[%swap3A_352, %swap3A_353], %get3A_350 {strides = array<i32>} : memref<2x128xi32, #tpu.memory_space<vmem>>, vector<16xi32>,
        %get3A_355 = arith.index_cast %add3A_312 : i32 to index
        %get3A_356 = arith.constant 96 : index
        %get3A_357 = tpu.vector_load %arg5[%get3A_355, %get3A_356] {strides = array<i32>} : memref<50x128xi32, #tpu.memory_space<vmem>>, vector<16xi32>,
        %swap3A_358 = arith.constant 0 : i32
        %swap3A_359 = arith.index_cast %swap3A_358 : i32 to index
        %swap3A_360 = arith.constant 96 : index
        %swap3A_361 = tpu.vector_load %arg6[%swap3A_359, %swap3A_360] {strides = array<i32>} : memref<2x128xi32, #tpu.memory_space<vmem>>, vector<16xi32>,
        tpu.vector_store %arg6[%swap3A_359, %swap3A_360], %get3A_357 {strides = array<i32>} : memref<2x128xi32, #tpu.memory_space<vmem>>, vector<16xi32>,
        %get3A_362 = arith.index_cast %add3A_312 : i32 to index
        %get3A_363 = arith.constant 112 : index
        %get3A_364 = tpu.vector_load %arg5[%get3A_362, %get3A_363] {strides = array<i32>} : memref<50x128xi32, #tpu.memory_space<vmem>>, vector<16xi32>,
        %swap3A_365 = arith.constant 0 : i32
        %swap3A_366 = arith.index_cast %swap3A_365 : i32 to index
        %swap3A_367 = arith.constant 112 : index
        %swap3A_368 = tpu.vector_load %arg6[%swap3A_366, %swap3A_367] {strides = array<i32>} : memref<2x128xi32, #tpu.memory_space<vmem>>, vector<16xi32>,
        tpu.vector_store %arg6[%swap3A_366, %swap3A_367], %get3A_364 {strides = array<i32>} : memref<2x128xi32, #tpu.memory_space<vmem>>, vector<16xi32>,
        %dma_start3A_369 = arith.constant 0 : i32
        %dma_start3A_370 = arith.constant 0 : i32
        %dma_start3A_371 = arith.constant 0 : i32
        %dma_start3A_372 = arith.constant 0 : i32
        %dma_start3A_373 = tpu.memref_slice %arg7[%dma_start3A_370, %dma_start3A_371, %dma_start3A_372] : memref<2x128x128xf32, #tpu.memory_space<vmem>> -> memref<1x128x128xf32, #tpu.memory_space<vmem>>
        %dma_start3A_374 = tpu.memref_squeeze %dma_start3A_373 : memref<1x128x128xf32, #tpu.memory_space<vmem>> -> memref<128x128xf32, #tpu.memory_space<vmem>>
        %dma_start3A_375 = arith.constant 0 : i32
        %dma_start3A_376 = tpu.memref_slice %arg6[%dma_start3A_369, %dma_start3A_375] : memref<2x128xi32, #tpu.memory_space<vmem>> -> memref<1x128xi32, #tpu.memory_space<vmem>>
        %dma_start3A_377 = tpu.memref_squeeze %dma_start3A_376 : memref<1x128xi32, #tpu.memory_space<vmem>> -> memref<128xi32, #tpu.memory_space<vmem>>
        %dma_start3A_378 = arith.constant 0 : i32
        %dma_start3A_379 = arith.constant 0 : i32
        %dma_start3A_380 = tpu.memref_slice %arg3[%dma_start3A_378, %dma_start3A_379] : memref<1000000x128xf32, #tpu.memory_space<hbm>> -> memref<1000000x128xf32, #tpu.memory_space<hbm>>
        tpu.enqueue_indirect_dma source(%dma_start3A_380 : memref<1000000x128xf32, #tpu.memory_space<hbm>>) target(%dma_start3A_374 : memref<128x128xf32, #tpu.memory_space<vmem>>) offsets(%dma_start3A_377 : memref<128xi32, #tpu.memory_space<vmem>>) semaphore(%arg9 : memref<!tpu.dma_semaphore, #tpu.memory_space<semaphore_mem>>)
      } else {
      }
      %dma_wait3A_266 = arith.constant 1 : i32
      %dma_wait3A_267 = arith.constant 1 : i32
      %dma_wait3A_268 = arith.constant 0 : i32
      %dma_wait3A_269 = arith.constant 0 : i32
      %dma_wait3A_270 = tpu.memref_slice %arg7[%dma_wait3A_267, %dma_wait3A_268, %dma_wait3A_269] : memref<2x128x128xf32, #tpu.memory_space<vmem>> -> memref<1x128x128xf32, #tpu.memory_space<vmem>>
      %dma_wait3A_271 = tpu.memref_squeeze %dma_wait3A_270 : memref<1x128x128xf32, #tpu.memory_space<vmem>> -> memref<128x128xf32, #tpu.memory_space<vmem>>
      %dma_wait3A_272 = arith.constant 0 : i32
      %dma_wait3A_273 = tpu.memref_slice %arg6[%dma_wait3A_266, %dma_wait3A_272] : memref<2x128xi32, #tpu.memory_space<vmem>> -> memref<1x128xi32, #tpu.memory_space<vmem>>
      %dma_wait3A_274 = tpu.memref_squeeze %dma_wait3A_273 : memref<1x128xi32, #tpu.memory_space<vmem>> -> memref<128xi32, #tpu.memory_space<vmem>>
      %dma_wait3A_275 = arith.constant 0 : i32
      %dma_wait3A_276 = arith.constant 0 : i32
      %dma_wait3A_277 = tpu.memref_slice %arg3[%dma_wait3A_275, %dma_wait3A_276] : memref<1000000x128xf32, #tpu.memory_space<hbm>> -> memref<1000000x128xf32, #tpu.memory_space<hbm>>
      tpu.wait_indirect_dma semaphore(%arg10 : memref<!tpu.dma_semaphore, #tpu.memory_space<semaphore_mem>>) src(%dma_wait3A_277 : memref<1000000x128xf32, #tpu.memory_space<hbm>>) dst(%dma_wait3A_271 : memref<128x128xf32, #tpu.memory_space<vmem>>)
      %gt3A_278 = arith.constant 0 : i32
      %gt3A_279 = arith.cmpi sgt, %scan3A_148, %gt3A_278 : i32
      %convert_element_type3A_280 = arith.extui %gt3A_279 : i1 to i32
      %cond3A_281 = arith.constant 0 : i32
      %cond3A_282 = arith.cmpi ne, %convert_element_type3A_280, %cond3A_281 : i32
      scf.if %cond3A_282 {
        %add3A_311 = arith.constant 1 : i32
        %add3A_312 = arith.addi %mul3A_150, %add3A_311 : i32
        %dma_wait3A_313 = arith.constant 1 : i32
        %dma_wait3A_314 = arith.constant 0 : i32
        %dma_wait3A_315 = arith.constant 0 : i32
        %dma_wait3A_316 = arith.constant 0 : i32
        %dma_wait3A_317 = tpu.memref_slice %arg8[%dma_wait3A_313, %dma_wait3A_314, %dma_wait3A_315, %dma_wait3A_316] : memref<2x8x8x128xf32, #tpu.memory_space<vmem>> -> memref<1x8x8x128xf32, #tpu.memory_space<vmem>>
        %dma_wait3A_318 = tpu.memref_squeeze %dma_wait3A_317 : memref<1x8x8x128xf32, #tpu.memory_space<vmem>> -> memref<8x8x128xf32, #tpu.memory_space<vmem>>
        %dma_wait3A_319 = arith.constant 0 : i32
        %dma_wait3A_320 = arith.constant 0 : i32
        %dma_wait3A_321 = arith.constant 0 : i32
        %dma_wait3A_322 = tpu.memref_slice %arg4[%add3A_312, %dma_wait3A_319, %add3A, %dma_wait3A_320, %dma_wait3A_321] : memref<50x8x32x8x128xf32, #tpu.memory_space<hbm>> -> memref<1x8x1x8x128xf32, #tpu.memory_space<hbm>>
        %dma_wait3A_323 = tpu.memref_squeeze %dma_wait3A_322 : memref<1x8x1x8x128xf32, #tpu.memory_space<hbm>> -> memref<8x8x128xf32, #tpu.memory_space<hbm>>
        %dma_wait3A_324 = arith.constant 0 : i32
        %dma_wait3A_325 = arith.constant 0 : i32
        %dma_wait3A_326 = arith.constant 0 : i32
        %dma_wait3A_327 = tpu.memref_slice %arg4[%add3A_312, %dma_wait3A_324, %add3A, %dma_wait3A_325, %dma_wait3A_326] : memref<50x8x32x8x128xf32, #tpu.memory_space<hbm>> -> memref<1x8x1x8x128xf32, #tpu.memory_space<hbm>>
        %dma_wait3A_328 = tpu.memref_squeeze %dma_wait3A_327 : memref<1x8x1x8x128xf32, #tpu.memory_space<hbm>> -> memref<8x8x128xf32, #tpu.memory_space<hbm>>
        %dma_wait3A_329 = arith.constant 0 : i32
        %dma_wait3A_330 = arith.constant 0 : i32
        %dma_wait3A_331 = arith.constant 0 : i32
        %dma_wait3A_332 = tpu.memref_slice %arg8[%dma_wait3A_313, %dma_wait3A_329, %dma_wait3A_330, %dma_wait3A_331] : memref<2x8x8x128xf32, #tpu.memory_space<vmem>> -> memref<1x8x8x128xf32, #tpu.memory_space<vmem>>
        %dma_wait3A_333 = tpu.memref_squeeze %dma_wait3A_332 : memref<1x8x8x128xf32, #tpu.memory_space<vmem>> -> memref<8x8x128xf32, #tpu.memory_space<vmem>>
        tpu.wait_dma2 semaphore(%arg12 : memref<!tpu.dma_semaphore, #tpu.memory_space<semaphore_mem>>) src(%dma_wait3A_333 : memref<8x8x128xf32, #tpu.memory_space<vmem>>) dst(%dma_wait3A_328 : memref<8x8x128xf32, #tpu.memory_space<hbm>>)
      } else {
      }
      %parallel_loop3A_283 = arith.constant 0 : i32
      %parallel_loop3A_284 = arith.constant 64 : i32
      %parallel_loop3A_285 = arith.constant 1 : i32
      %parallel_loop3A_286 = arith.constant 1 : i32
      %parallel_loop3A_287 = arith.constant 1 : i32
      scf.for %parallel_loop3A_311 = %parallel_loop3A_283 to %parallel_loop3A_284 step %parallel_loop3A_285  : i32 {
        %parallel_loop3A_312 = arith.constant 8 : i32
        %parallel_loop3A_313 = arith.divsi %parallel_loop3A_311, %parallel_loop3A_312 : i32
        %parallel_loop3A_314 = arith.constant 0 : i32
        %parallel_loop3A_315 = arith.cmpi sgt, %parallel_loop3A_311, %parallel_loop3A_314 : i32
        %parallel_loop3A_316 = arith.extui %parallel_loop3A_315 : i1 to i32
        %parallel_loop3A_317 = arith.constant 0 : i32
        %parallel_loop3A_318 = arith.cmpi slt, %parallel_loop3A_311, %parallel_loop3A_317 : i32
        %parallel_loop3A_319 = arith.extui %parallel_loop3A_318 : i1 to i32
        %parallel_loop3A_320 = arith.subi %parallel_loop3A_316, %parallel_loop3A_319 : i32
        %parallel_loop3A_321 = arith.constant 0 : i32
        %parallel_loop3A_322 = arith.cmpi sgt, %parallel_loop3A_312, %parallel_loop3A_321 : i32
        %parallel_loop3A_323 = arith.extui %parallel_loop3A_322 : i1 to i32
        %parallel_loop3A_324 = arith.constant 0 : i32
        %parallel_loop3A_325 = arith.cmpi slt, %parallel_loop3A_312, %parallel_loop3A_324 : i32
        %parallel_loop3A_326 = arith.extui %parallel_loop3A_325 : i1 to i32
        %parallel_loop3A_327 = arith.subi %parallel_loop3A_323, %parallel_loop3A_326 : i32
        %parallel_loop3A_328 = arith.cmpi ne, %parallel_loop3A_320, %parallel_loop3A_327 : i32
        %parallel_loop3A_329 = arith.remsi %parallel_loop3A_311, %parallel_loop3A_312 : i32
        %parallel_loop3A_330 = arith.constant 0 : i32
        %parallel_loop3A_331 = arith.cmpi ne, %parallel_loop3A_329, %parallel_loop3A_330 : i32
        %parallel_loop3A_332 = arith.andi %parallel_loop3A_328, %parallel_loop3A_331 : i1
        %parallel_loop3A_333 = arith.constant 1 : i32
        %parallel_loop3A_334 = arith.subi %parallel_loop3A_313, %parallel_loop3A_333 : i32
        %parallel_loop3A_335 = arith.select %parallel_loop3A_332, %parallel_loop3A_334, %parallel_loop3A_313 : i32
        %parallel_loop3A_336 = arith.constant 8 : i32
        %parallel_loop3A_337 = arith.muli %parallel_loop3A_336, %parallel_loop3A_335 : i32
        %parallel_loop3A_338 = arith.subi %parallel_loop3A_311, %parallel_loop3A_337 : i32
        %parallel_loop3A_339 = vector.broadcast %parallel_loop3A_311 : i32 to vector<16xi32>
        %parallel_loop3A_340 = arith.constant 0 : i32
        %parallel_loop3A_341 = arith.constant 0 : i32
        %parallel_loop3A_342 = tpu.memref_slice %arg7[%parallel_loop3A_286, %parallel_loop3A_340, %parallel_loop3A_341] : memref<2x128x128xf32, #tpu.memory_space<vmem>> -> memref<1x128x128xf32, #tpu.memory_space<vmem>>
        %parallel_loop3A_343 = tpu.memref_squeeze %parallel_loop3A_342 : memref<1x128x128xf32, #tpu.memory_space<vmem>> -> memref<128x128xf32, #tpu.memory_space<vmem>>
        %parallel_loop3A_344 = tpu.vector_load_idx %parallel_loop3A_343[%add3A_5, %parallel_loop3A_339] : memref<128x128xf32, #tpu.memory_space<vmem>>[vector<16xi32>, vector<16xi32>], vector<16xf32>,
        %parallel_loop3A_345 = arith.constant 0 : i32
        %parallel_loop3A_346 = arith.constant 0 : i32
        %parallel_loop3A_347 = arith.constant 0 : i32
        %parallel_loop3A_348 = tpu.memref_slice %arg8[%parallel_loop3A_287, %parallel_loop3A_345, %parallel_loop3A_346, %parallel_loop3A_347] : memref<2x8x8x128xf32, #tpu.memory_space<vmem>> -> memref<1x8x8x128xf32, #tpu.memory_space<vmem>>
        %parallel_loop3A_349 = tpu.memref_squeeze %parallel_loop3A_348 : memref<1x8x8x128xf32, #tpu.memory_space<vmem>> -> memref<8x8x128xf32, #tpu.memory_space<vmem>>
        %parallel_loop3A_350 = arith.index_cast %parallel_loop3A_335 : i32 to index
        %parallel_loop3A_351 = arith.index_cast %parallel_loop3A_338 : i32 to index
        %parallel_loop3A_352 = arith.constant 0 : index
        %parallel_loop3A_353 = tpu.vector_load %parallel_loop3A_349[%parallel_loop3A_350, %parallel_loop3A_351, %parallel_loop3A_352] {strides = array<i32>} : memref<8x8x128xf32, #tpu.memory_space<vmem>>, vector<16xf32>,
        tpu.vector_store %parallel_loop3A_349[%parallel_loop3A_350, %parallel_loop3A_351, %parallel_loop3A_352], %parallel_loop3A_344 {strides = array<i32>} : memref<8x8x128xf32, #tpu.memory_space<vmem>>, vector<16xf32>,
        %parallel_loop3A_354 = arith.constant 0 : i32
        %parallel_loop3A_355 = arith.constant 0 : i32
        %parallel_loop3A_356 = tpu.memref_slice %arg7[%parallel_loop3A_286, %parallel_loop3A_354, %parallel_loop3A_355] : memref<2x128x128xf32, #tpu.memory_space<vmem>> -> memref<1x128x128xf32, #tpu.memory_space<vmem>>
        %parallel_loop3A_357 = tpu.memref_squeeze %parallel_loop3A_356 : memref<1x128x128xf32, #tpu.memory_space<vmem>> -> memref<128x128xf32, #tpu.memory_space<vmem>>
        %parallel_loop3A_358 = tpu.vector_load_idx %parallel_loop3A_357[%add3A_8, %parallel_loop3A_339] : memref<128x128xf32, #tpu.memory_space<vmem>>[vector<16xi32>, vector<16xi32>], vector<16xf32>,
        %parallel_loop3A_359 = arith.constant 0 : i32
        %parallel_loop3A_360 = arith.constant 0 : i32
        %parallel_loop3A_361 = arith.constant 0 : i32
        %parallel_loop3A_362 = tpu.memref_slice %arg8[%parallel_loop3A_287, %parallel_loop3A_359, %parallel_loop3A_360, %parallel_loop3A_361] : memref<2x8x8x128xf32, #tpu.memory_space<vmem>> -> memref<1x8x8x128xf32, #tpu.memory_space<vmem>>
        %parallel_loop3A_363 = tpu.memref_squeeze %parallel_loop3A_362 : memref<1x8x8x128xf32, #tpu.memory_space<vmem>> -> memref<8x8x128xf32, #tpu.memory_space<vmem>>
        %parallel_loop3A_364 = arith.index_cast %parallel_loop3A_335 : i32 to index
        %parallel_loop3A_365 = arith.index_cast %parallel_loop3A_338 : i32 to index
        %parallel_loop3A_366 = arith.constant 16 : index
        %parallel_loop3A_367 = tpu.vector_load %parallel_loop3A_363[%parallel_loop3A_364, %parallel_loop3A_365, %parallel_loop3A_366] {strides = array<i32>} : memref<8x8x128xf32, #tpu.memory_space<vmem>>, vector<16xf32>,
        tpu.vector_store %parallel_loop3A_363[%parallel_loop3A_364, %parallel_loop3A_365, %parallel_loop3A_366], %parallel_loop3A_358 {strides = array<i32>} : memref<8x8x128xf32, #tpu.memory_space<vmem>>, vector<16xf32>,
        %parallel_loop3A_368 = arith.constant 0 : i32
        %parallel_loop3A_369 = arith.constant 0 : i32
        %parallel_loop3A_370 = tpu.memref_slice %arg7[%parallel_loop3A_286, %parallel_loop3A_368, %parallel_loop3A_369] : memref<2x128x128xf32, #tpu.memory_space<vmem>> -> memref<1x128x128xf32, #tpu.memory_space<vmem>>
        %parallel_loop3A_371 = tpu.memref_squeeze %parallel_loop3A_370 : memref<1x128x128xf32, #tpu.memory_space<vmem>> -> memref<128x128xf32, #tpu.memory_space<vmem>>
        %parallel_loop3A_372 = tpu.vector_load_idx %parallel_loop3A_371[%add3A_11, %parallel_loop3A_339] : memref<128x128xf32, #tpu.memory_space<vmem>>[vector<16xi32>, vector<16xi32>], vector<16xf32>,
        %parallel_loop3A_373 = arith.constant 0 : i32
        %parallel_loop3A_374 = arith.constant 0 : i32
        %parallel_loop3A_375 = arith.constant 0 : i32
        %parallel_loop3A_376 = tpu.memref_slice %arg8[%parallel_loop3A_287, %parallel_loop3A_373, %parallel_loop3A_374, %parallel_loop3A_375] : memref<2x8x8x128xf32, #tpu.memory_space<vmem>> -> memref<1x8x8x128xf32, #tpu.memory_space<vmem>>
        %parallel_loop3A_377 = tpu.memref_squeeze %parallel_loop3A_376 : memref<1x8x8x128xf32, #tpu.memory_space<vmem>> -> memref<8x8x128xf32, #tpu.memory_space<vmem>>
        %parallel_loop3A_378 = arith.index_cast %parallel_loop3A_335 : i32 to index
        %parallel_loop3A_379 = arith.index_cast %parallel_loop3A_338 : i32 to index
        %parallel_loop3A_380 = arith.constant 32 : index
        %parallel_loop3A_381 = tpu.vector_load %parallel_loop3A_377[%parallel_loop3A_378, %parallel_loop3A_379, %parallel_loop3A_380] {strides = array<i32>} : memref<8x8x128xf32, #tpu.memory_space<vmem>>, vector<16xf32>,
        tpu.vector_store %parallel_loop3A_377[%parallel_loop3A_378, %parallel_loop3A_379, %parallel_loop3A_380], %parallel_loop3A_372 {strides = array<i32>} : memref<8x8x128xf32, #tpu.memory_space<vmem>>, vector<16xf32>,
        %parallel_loop3A_382 = arith.constant 0 : i32
        %parallel_loop3A_383 = arith.constant 0 : i32
        %parallel_loop3A_384 = tpu.memref_slice %arg7[%parallel_loop3A_286, %parallel_loop3A_382, %parallel_loop3A_383] : memref<2x128x128xf32, #tpu.memory_space<vmem>> -> memref<1x128x128xf32, #tpu.memory_space<vmem>>
        %parallel_loop3A_385 = tpu.memref_squeeze %parallel_loop3A_384 : memref<1x128x128xf32, #tpu.memory_space<vmem>> -> memref<128x128xf32, #tpu.memory_space<vmem>>
        %parallel_loop3A_386 = tpu.vector_load_idx %parallel_loop3A_385[%add3A_14, %parallel_loop3A_339] : memref<128x128xf32, #tpu.memory_space<vmem>>[vector<16xi32>, vector<16xi32>], vector<16xf32>,
        %parallel_loop3A_387 = arith.constant 0 : i32
        %parallel_loop3A_388 = arith.constant 0 : i32
        %parallel_loop3A_389 = arith.constant 0 : i32
        %parallel_loop3A_390 = tpu.memref_slice %arg8[%parallel_loop3A_287, %parallel_loop3A_387, %parallel_loop3A_388, %parallel_loop3A_389] : memref<2x8x8x128xf32, #tpu.memory_space<vmem>> -> memref<1x8x8x128xf32, #tpu.memory_space<vmem>>
        %parallel_loop3A_391 = tpu.memref_squeeze %parallel_loop3A_390 : memref<1x8x8x128xf32, #tpu.memory_space<vmem>> -> memref<8x8x128xf32, #tpu.memory_space<vmem>>
        %parallel_loop3A_392 = arith.index_cast %parallel_loop3A_335 : i32 to index
        %parallel_loop3A_393 = arith.index_cast %parallel_loop3A_338 : i32 to index
        %parallel_loop3A_394 = arith.constant 48 : index
        %parallel_loop3A_395 = tpu.vector_load %parallel_loop3A_391[%parallel_loop3A_392, %parallel_loop3A_393, %parallel_loop3A_394] {strides = array<i32>} : memref<8x8x128xf32, #tpu.memory_space<vmem>>, vector<16xf32>,
        tpu.vector_store %parallel_loop3A_391[%parallel_loop3A_392, %parallel_loop3A_393, %parallel_loop3A_394], %parallel_loop3A_386 {strides = array<i32>} : memref<8x8x128xf32, #tpu.memory_space<vmem>>, vector<16xf32>,
        %parallel_loop3A_396 = arith.constant 0 : i32
        %parallel_loop3A_397 = arith.constant 0 : i32
        %parallel_loop3A_398 = tpu.memref_slice %arg7[%parallel_loop3A_286, %parallel_loop3A_396, %parallel_loop3A_397] : memref<2x128x128xf32, #tpu.memory_space<vmem>> -> memref<1x128x128xf32, #tpu.memory_space<vmem>>
        %parallel_loop3A_399 = tpu.memref_squeeze %parallel_loop3A_398 : memref<1x128x128xf32, #tpu.memory_space<vmem>> -> memref<128x128xf32, #tpu.memory_space<vmem>>
        %parallel_loop3A_400 = tpu.vector_load_idx %parallel_loop3A_399[%add3A_17, %parallel_loop3A_339] : memref<128x128xf32, #tpu.memory_space<vmem>>[vector<16xi32>, vector<16xi32>], vector<16xf32>,
        %parallel_loop3A_401 = arith.constant 0 : i32
        %parallel_loop3A_402 = arith.constant 0 : i32
        %parallel_loop3A_403 = arith.constant 0 : i32
        %parallel_loop3A_404 = tpu.memref_slice %arg8[%parallel_loop3A_287, %parallel_loop3A_401, %parallel_loop3A_402, %parallel_loop3A_403] : memref<2x8x8x128xf32, #tpu.memory_space<vmem>> -> memref<1x8x8x128xf32, #tpu.memory_space<vmem>>
        %parallel_loop3A_405 = tpu.memref_squeeze %parallel_loop3A_404 : memref<1x8x8x128xf32, #tpu.memory_space<vmem>> -> memref<8x8x128xf32, #tpu.memory_space<vmem>>
        %parallel_loop3A_406 = arith.index_cast %parallel_loop3A_335 : i32 to index
        %parallel_loop3A_407 = arith.index_cast %parallel_loop3A_338 : i32 to index
        %parallel_loop3A_408 = arith.constant 64 : index
        %parallel_loop3A_409 = tpu.vector_load %parallel_loop3A_405[%parallel_loop3A_406, %parallel_loop3A_407, %parallel_loop3A_408] {strides = array<i32>} : memref<8x8x128xf32, #tpu.memory_space<vmem>>, vector<16xf32>,
        tpu.vector_store %parallel_loop3A_405[%parallel_loop3A_406, %parallel_loop3A_407, %parallel_loop3A_408], %parallel_loop3A_400 {strides = array<i32>} : memref<8x8x128xf32, #tpu.memory_space<vmem>>, vector<16xf32>,
        %parallel_loop3A_410 = arith.constant 0 : i32
        %parallel_loop3A_411 = arith.constant 0 : i32
        %parallel_loop3A_412 = tpu.memref_slice %arg7[%parallel_loop3A_286, %parallel_loop3A_410, %parallel_loop3A_411] : memref<2x128x128xf32, #tpu.memory_space<vmem>> -> memref<1x128x128xf32, #tpu.memory_space<vmem>>
        %parallel_loop3A_413 = tpu.memref_squeeze %parallel_loop3A_412 : memref<1x128x128xf32, #tpu.memory_space<vmem>> -> memref<128x128xf32, #tpu.memory_space<vmem>>
        %parallel_loop3A_414 = tpu.vector_load_idx %parallel_loop3A_413[%add3A_20, %parallel_loop3A_339] : memref<128x128xf32, #tpu.memory_space<vmem>>[vector<16xi32>, vector<16xi32>], vector<16xf32>,
        %parallel_loop3A_415 = arith.constant 0 : i32
        %parallel_loop3A_416 = arith.constant 0 : i32
        %parallel_loop3A_417 = arith.constant 0 : i32
        %parallel_loop3A_418 = tpu.memref_slice %arg8[%parallel_loop3A_287, %parallel_loop3A_415, %parallel_loop3A_416, %parallel_loop3A_417] : memref<2x8x8x128xf32, #tpu.memory_space<vmem>> -> memref<1x8x8x128xf32, #tpu.memory_space<vmem>>
        %parallel_loop3A_419 = tpu.memref_squeeze %parallel_loop3A_418 : memref<1x8x8x128xf32, #tpu.memory_space<vmem>> -> memref<8x8x128xf32, #tpu.memory_space<vmem>>
        %parallel_loop3A_420 = arith.index_cast %parallel_loop3A_335 : i32 to index
        %parallel_loop3A_421 = arith.index_cast %parallel_loop3A_338 : i32 to index
        %parallel_loop3A_422 = arith.constant 80 : index
        %parallel_loop3A_423 = tpu.vector_load %parallel_loop3A_419[%parallel_loop3A_420, %parallel_loop3A_421, %parallel_loop3A_422] {strides = array<i32>} : memref<8x8x128xf32, #tpu.memory_space<vmem>>, vector<16xf32>,
        tpu.vector_store %parallel_loop3A_419[%parallel_loop3A_420, %parallel_loop3A_421, %parallel_loop3A_422], %parallel_loop3A_414 {strides = array<i32>} : memref<8x8x128xf32, #tpu.memory_space<vmem>>, vector<16xf32>,
        %parallel_loop3A_424 = arith.constant 0 : i32
        %parallel_loop3A_425 = arith.constant 0 : i32
        %parallel_loop3A_426 = tpu.memref_slice %arg7[%parallel_loop3A_286, %parallel_loop3A_424, %parallel_loop3A_425] : memref<2x128x128xf32, #tpu.memory_space<vmem>> -> memref<1x128x128xf32, #tpu.memory_space<vmem>>
        %parallel_loop3A_427 = tpu.memref_squeeze %parallel_loop3A_426 : memref<1x128x128xf32, #tpu.memory_space<vmem>> -> memref<128x128xf32, #tpu.memory_space<vmem>>
        %parallel_loop3A_428 = tpu.vector_load_idx %parallel_loop3A_427[%add3A_23, %parallel_loop3A_339] : memref<128x128xf32, #tpu.memory_space<vmem>>[vector<16xi32>, vector<16xi32>], vector<16xf32>,
        %parallel_loop3A_429 = arith.constant 0 : i32
        %parallel_loop3A_430 = arith.constant 0 : i32
        %parallel_loop3A_431 = arith.constant 0 : i32
        %parallel_loop3A_432 = tpu.memref_slice %arg8[%parallel_loop3A_287, %parallel_loop3A_429, %parallel_loop3A_430, %parallel_loop3A_431] : memref<2x8x8x128xf32, #tpu.memory_space<vmem>> -> memref<1x8x8x128xf32, #tpu.memory_space<vmem>>
        %parallel_loop3A_433 = tpu.memref_squeeze %parallel_loop3A_432 : memref<1x8x8x128xf32, #tpu.memory_space<vmem>> -> memref<8x8x128xf32, #tpu.memory_space<vmem>>
        %parallel_loop3A_434 = arith.index_cast %parallel_loop3A_335 : i32 to index
        %parallel_loop3A_435 = arith.index_cast %parallel_loop3A_338 : i32 to index
        %parallel_loop3A_436 = arith.constant 96 : index
        %parallel_loop3A_437 = tpu.vector_load %parallel_loop3A_433[%parallel_loop3A_434, %parallel_loop3A_435, %parallel_loop3A_436] {strides = array<i32>} : memref<8x8x128xf32, #tpu.memory_space<vmem>>, vector<16xf32>,
        tpu.vector_store %parallel_loop3A_433[%parallel_loop3A_434, %parallel_loop3A_435, %parallel_loop3A_436], %parallel_loop3A_428 {strides = array<i32>} : memref<8x8x128xf32, #tpu.memory_space<vmem>>, vector<16xf32>,
        %parallel_loop3A_438 = arith.constant 0 : i32
        %parallel_loop3A_439 = arith.constant 0 : i32
        %parallel_loop3A_440 = tpu.memref_slice %arg7[%parallel_loop3A_286, %parallel_loop3A_438, %parallel_loop3A_439] : memref<2x128x128xf32, #tpu.memory_space<vmem>> -> memref<1x128x128xf32, #tpu.memory_space<vmem>>
        %parallel_loop3A_441 = tpu.memref_squeeze %parallel_loop3A_440 : memref<1x128x128xf32, #tpu.memory_space<vmem>> -> memref<128x128xf32, #tpu.memory_space<vmem>>
        %parallel_loop3A_442 = tpu.vector_load_idx %parallel_loop3A_441[%add3A_26, %parallel_loop3A_339] : memref<128x128xf32, #tpu.memory_space<vmem>>[vector<16xi32>, vector<16xi32>], vector<16xf32>,
        %parallel_loop3A_443 = arith.constant 0 : i32
        %parallel_loop3A_444 = arith.constant 0 : i32
        %parallel_loop3A_445 = arith.constant 0 : i32
        %parallel_loop3A_446 = tpu.memref_slice %arg8[%parallel_loop3A_287, %parallel_loop3A_443, %parallel_loop3A_444, %parallel_loop3A_445] : memref<2x8x8x128xf32, #tpu.memory_space<vmem>> -> memref<1x8x8x128xf32, #tpu.memory_space<vmem>>
        %parallel_loop3A_447 = tpu.memref_squeeze %parallel_loop3A_446 : memref<1x8x8x128xf32, #tpu.memory_space<vmem>> -> memref<8x8x128xf32, #tpu.memory_space<vmem>>
        %parallel_loop3A_448 = arith.index_cast %parallel_loop3A_335 : i32 to index
        %parallel_loop3A_449 = arith.index_cast %parallel_loop3A_338 : i32 to index
        %parallel_loop3A_450 = arith.constant 112 : index
        %parallel_loop3A_451 = tpu.vector_load %parallel_loop3A_447[%parallel_loop3A_448, %parallel_loop3A_449, %parallel_loop3A_450] {strides = array<i32>} : memref<8x8x128xf32, #tpu.memory_space<vmem>>, vector<16xf32>,
        tpu.vector_store %parallel_loop3A_447[%parallel_loop3A_448, %parallel_loop3A_449, %parallel_loop3A_450], %parallel_loop3A_442 {strides = array<i32>} : memref<8x8x128xf32, #tpu.memory_space<vmem>>, vector<16xf32>,
      } {sc.loop_unroll_factor = 4 : i64, sc.parallel_access}
      %add3A_288 = arith.constant 1 : i32
      %add3A_289 = arith.addi %mul3A_150, %add3A_288 : i32
      %dma_start3A_290 = arith.constant 1 : i32
      %dma_start3A_291 = arith.constant 0 : i32
      %dma_start3A_292 = arith.constant 0 : i32
      %dma_start3A_293 = arith.constant 0 : i32
      %dma_start3A_294 = tpu.memref_slice %arg8[%dma_start3A_290, %dma_start3A_291, %dma_start3A_292, %dma_start3A_293] : memref<2x8x8x128xf32, #tpu.memory_space<vmem>> -> memref<1x8x8x128xf32, #tpu.memory_space<vmem>>
      %dma_start3A_295 = tpu.memref_squeeze %dma_start3A_294 : memref<1x8x8x128xf32, #tpu.memory_space<vmem>> -> memref<8x8x128xf32, #tpu.memory_space<vmem>>
      %dma_start3A_296 = arith.constant 0 : i32
      %dma_start3A_297 = arith.constant 0 : i32
      %dma_start3A_298 = arith.constant 0 : i32
      %dma_start3A_299 = tpu.memref_slice %arg4[%add3A_289, %dma_start3A_296, %add3A, %dma_start3A_297, %dma_start3A_298] : memref<50x8x32x8x128xf32, #tpu.memory_space<hbm>> -> memref<1x8x1x8x128xf32, #tpu.memory_space<hbm>>
      %dma_start3A_300 = tpu.memref_squeeze %dma_start3A_299 : memref<1x8x1x8x128xf32, #tpu.memory_space<hbm>> -> memref<8x8x128xf32, #tpu.memory_space<hbm>>
      %dma_start3A_301 = arith.constant 0 : i32
      %dma_start3A_302 = arith.constant 0 : i32
      %dma_start3A_303 = arith.constant 0 : i32
      %dma_start3A_304 = tpu.memref_slice %arg4[%add3A_289, %dma_start3A_301, %add3A, %dma_start3A_302, %dma_start3A_303] : memref<50x8x32x8x128xf32, #tpu.memory_space<hbm>> -> memref<1x8x1x8x128xf32, #tpu.memory_space<hbm>>
      %dma_start3A_305 = tpu.memref_squeeze %dma_start3A_304 : memref<1x8x1x8x128xf32, #tpu.memory_space<hbm>> -> memref<8x8x128xf32, #tpu.memory_space<hbm>>
      %dma_start3A_306 = arith.constant 0 : i32
      %dma_start3A_307 = arith.constant 0 : i32
      %dma_start3A_308 = arith.constant 0 : i32
      %dma_start3A_309 = tpu.memref_slice %arg8[%dma_start3A_290, %dma_start3A_306, %dma_start3A_307, %dma_start3A_308] : memref<2x8x8x128xf32, #tpu.memory_space<vmem>> -> memref<1x8x8x128xf32, #tpu.memory_space<vmem>>
      %dma_start3A_310 = tpu.memref_squeeze %dma_start3A_309 : memref<1x8x8x128xf32, #tpu.memory_space<vmem>> -> memref<8x8x128xf32, #tpu.memory_space<vmem>>
      tpu.enqueue_dma source(%dma_start3A_310 : memref<8x8x128xf32, #tpu.memory_space<vmem>>) target(%dma_start3A_305 : memref<8x8x128xf32, #tpu.memory_space<hbm>>) target_semaphore(%arg12 : memref<!tpu.dma_semaphore, #tpu.memory_space<semaphore_mem>>)
    }
    %scan3A_104 = arith.constant 25 : i32
    %dma_wait3A = arith.constant 0 : i32
    %dma_wait3A_105 = arith.constant 0 : i32
    %dma_wait3A_106 = arith.constant 0 : i32
    %dma_wait3A_107 = arith.constant 0 : i32
    %dma_wait3A_108 = arith.constant 0 : i32
    %dma_wait3A_109 = tpu.memref_slice %arg8[%dma_wait3A, %dma_wait3A_106, %dma_wait3A_107, %dma_wait3A_108] : memref<2x8x8x128xf32, #tpu.memory_space<vmem>> -> memref<1x8x8x128xf32, #tpu.memory_space<vmem>>
    %dma_wait3A_110 = tpu.memref_squeeze %dma_wait3A_109 : memref<1x8x8x128xf32, #tpu.memory_space<vmem>> -> memref<8x8x128xf32, #tpu.memory_space<vmem>>
    %dma_wait3A_111 = arith.constant 0 : i32
    %dma_wait3A_112 = arith.constant 0 : i32
    %dma_wait3A_113 = arith.constant 0 : i32
    %dma_wait3A_114 = tpu.memref_slice %arg4[%dma_wait3A_105, %dma_wait3A_111, %add3A, %dma_wait3A_112, %dma_wait3A_113] : memref<50x8x32x8x128xf32, #tpu.memory_space<hbm>> -> memref<1x8x1x8x128xf32, #tpu.memory_space<hbm>>
    %dma_wait3A_115 = tpu.memref_squeeze %dma_wait3A_114 : memref<1x8x1x8x128xf32, #tpu.memory_space<hbm>> -> memref<8x8x128xf32, #tpu.memory_space<hbm>>
    %dma_wait3A_116 = arith.constant 0 : i32
    %dma_wait3A_117 = arith.constant 0 : i32
    %dma_wait3A_118 = arith.constant 0 : i32
    %dma_wait3A_119 = tpu.memref_slice %arg4[%dma_wait3A_105, %dma_wait3A_116, %add3A, %dma_wait3A_117, %dma_wait3A_118] : memref<50x8x32x8x128xf32, #tpu.memory_space<hbm>> -> memref<1x8x1x8x128xf32, #tpu.memory_space<hbm>>
    %dma_wait3A_120 = tpu.memref_squeeze %dma_wait3A_119 : memref<1x8x1x8x128xf32, #tpu.memory_space<hbm>> -> memref<8x8x128xf32, #tpu.memory_space<hbm>>
    %dma_wait3A_121 = arith.constant 0 : i32
    %dma_wait3A_122 = arith.constant 0 : i32
    %dma_wait3A_123 = arith.constant 0 : i32
    %dma_wait3A_124 = tpu.memref_slice %arg8[%dma_wait3A, %dma_wait3A_121, %dma_wait3A_122, %dma_wait3A_123] : memref<2x8x8x128xf32, #tpu.memory_space<vmem>> -> memref<1x8x8x128xf32, #tpu.memory_space<vmem>>
    %dma_wait3A_125 = tpu.memref_squeeze %dma_wait3A_124 : memref<1x8x8x128xf32, #tpu.memory_space<vmem>> -> memref<8x8x128xf32, #tpu.memory_space<vmem>>
    tpu.wait_dma2 semaphore(%arg11 : memref<!tpu.dma_semaphore, #tpu.memory_space<semaphore_mem>>) src(%dma_wait3A_125 : memref<8x8x128xf32, #tpu.memory_space<vmem>>) dst(%dma_wait3A_120 : memref<8x8x128xf32, #tpu.memory_space<hbm>>)
    %dma_wait3A_126 = arith.constant 1 : i32
    %dma_wait3A_127 = arith.constant 0 : i32
    %dma_wait3A_128 = arith.constant 0 : i32
    %dma_wait3A_129 = arith.constant 0 : i32
    %dma_wait3A_130 = arith.constant 0 : i32
    %dma_wait3A_131 = tpu.memref_slice %arg8[%dma_wait3A_126, %dma_wait3A_128, %dma_wait3A_129, %dma_wait3A_130] : memref<2x8x8x128xf32, #tpu.memory_space<vmem>> -> memref<1x8x8x128xf32, #tpu.memory_space<vmem>>
    %dma_wait3A_132 = tpu.memref_squeeze %dma_wait3A_131 : memref<1x8x8x128xf32, #tpu.memory_space<vmem>> -> memref<8x8x128xf32, #tpu.memory_space<vmem>>
    %dma_wait3A_133 = arith.constant 0 : i32
    %dma_wait3A_134 = arith.constant 0 : i32
    %dma_wait3A_135 = arith.constant 0 : i32
    %dma_wait3A_136 = tpu.memref_slice %arg4[%dma_wait3A_127, %dma_wait3A_133, %add3A, %dma_wait3A_134, %dma_wait3A_135] : memref<50x8x32x8x128xf32, #tpu.memory_space<hbm>> -> memref<1x8x1x8x128xf32, #tpu.memory_space<hbm>>
    %dma_wait3A_137 = tpu.memref_squeeze %dma_wait3A_136 : memref<1x8x1x8x128xf32, #tpu.memory_space<hbm>> -> memref<8x8x128xf32, #tpu.memory_space<hbm>>
    %dma_wait3A_138 = arith.constant 0 : i32
    %dma_wait3A_139 = arith.constant 0 : i32
    %dma_wait3A_140 = arith.constant 0 : i32
    %dma_wait3A_141 = tpu.memref_slice %arg4[%dma_wait3A_127, %dma_wait3A_138, %add3A, %dma_wait3A_139, %dma_wait3A_140] : memref<50x8x32x8x128xf32, #tpu.memory_space<hbm>> -> memref<1x8x1x8x128xf32, #tpu.memory_space<hbm>>
    %dma_wait3A_142 = tpu.memref_squeeze %dma_wait3A_141 : memref<1x8x1x8x128xf32, #tpu.memory_space<hbm>> -> memref<8x8x128xf32, #tpu.memory_space<hbm>>
    %dma_wait3A_143 = arith.constant 0 : i32
    %dma_wait3A_144 = arith.constant 0 : i32
    %dma_wait3A_145 = arith.constant 0 : i32
    %dma_wait3A_146 = tpu.memref_slice %arg8[%dma_wait3A_126, %dma_wait3A_143, %dma_wait3A_144, %dma_wait3A_145] : memref<2x8x8x128xf32, #tpu.memory_space<vmem>> -> memref<1x8x8x128xf32, #tpu.memory_space<vmem>>
    %dma_wait3A_147 = tpu.memref_squeeze %dma_wait3A_146 : memref<1x8x8x128xf32, #tpu.memory_space<vmem>> -> memref<8x8x128xf32, #tpu.memory_space<vmem>>
    tpu.wait_dma2 semaphore(%arg12 : memref<!tpu.dma_semaphore, #tpu.memory_space<semaphore_mem>>) src(%dma_wait3A_147 : memref<8x8x128xf32, #tpu.memory_space<vmem>>) dst(%dma_wait3A_142 : memref<8x8x128xf32, #tpu.memory_space<hbm>>)
    return
  }
}

</mosaic_0001>

<sc_bundles>
// kernel: _sc_gather.3.cloned.1.call-start
scs
__scs_entry_jumppad:
0x0: {  	(pc) =	sbr.rel $0x88, $3  }
0x1: {  	(tag) =	ssettag $0x0;
	lr =	simm.s32 $0x1  }
0x2: {  	[smem:$0x3F9F] =	sst lr;
	_ =	strace $0xD0000000  }
0x3: {  	_ = 	snop  }
0x4: {  	_ = 	snop  }
0x5: {  	_ = 	snop  }
0x6: {  	_ = 	snop  }
0x7: {  	_ = 	snop  }
__scs_overlays_trampoline_lowered:
0x8: {  	[smem:$0x3FAE] =	sst s0  }
0x9: {  	[smem:$0x3FAF] =	sst s1  }
0xa: {  	[smem:$0x3FB0] =	sst s2  }
0xb: {  	[smem:$0x3FB1] =	sst s3  }
0xc: {  	[smem:$0x3FB2] =	sst s4  }
0xd: {  	[smem:$0x3FB3] =	sst s5  }
0xe: {  	[smem:$0x3FB4] =	sst s6  }
0xf: {  	[smem:$0x3FB5] =	sst s7  }
0x10: {  	[smem:$0x3FB6] =	sst s8  }
0x11: {  	[smem:$0x3FB7] =	sst s9;
	s0 =	simm.s32 @!p0 $0x0  }
0x12: {  	s1 =	sld [smem:$0x3F9D];
	s0 =	simm.s32 @p0 $0x1  }
0x13: {  	[smem:$0x3FB8] =	sst s0;
	s0 =	simm.s32 @!p1 $0x0  }
0x14: {  	s2 =	sld [smem:$0x3F9C];
	s0 =	simm.s32 @p1 $0x1  }
0x15: {  	[smem:$0x3FB9] =	sst s0;
	s0 =	simm.s32 @!p2 $0x0  }
0x16: {  	s3 =	sld [smem:$0x3FDB];
	s0 =	simm.s32 @p2 $0x1  }
0x17: {  	s4 =	simm.s32 $0x1BF5;
	[smem:$0x3FBB] =	sst s0  }
0x18: {  	s0 =	sld [smem:$0x3F9E];
	_ =	swait.ge [sflag:s4], $0x0  }
0x19: {  	s7 =	sld [smem:$0x3F9F]  }
0x1a: {  	s8 =	sadd.s32 $0xFFFFE003, lr  }
0x1b: {  	s9 =	sadd.s32 $0xFFFFFEF7, lr;
	s5 =	simm.s32 $0xFFFFFFFF;
	p2 =	slt.u32 s8, $0xFFFFF086  }
0x1c: {  	p1 =	slt.u32 s9, $0xF7A;
	s5 =	simm.s32 @!p2 $0x0  }
0x1d: {  	s5 =	simm.s32 @p1 $0x1;
	p0 =	seq.s32 s7, s2  }
0x1e: {  	s7 =	smul.u32 @!p0 $0xF7A, s2;
	p2 =	seq.s32 @!p0 s5, $0x0  }
0x1f: {  	s9 =	smul.u32 $0xF7A, s1;
	s8 =	simm.s32 @!p0 $0x1BF5;
	p2 =	por !p2, p0  }
0x20: {  	[sflag:s8] =	ssyncset.s32 @!p0 $0xFFFFF086;
	s6 =	sadd.s32 @!p0 s3, s7;
	s7 =	simm.s32 @!p0 $0x108  }
0x21: {  	s3 =	sadd.s32 s3, s9;
	s6 =	sadd.s32 @!p0 $0x88, s6;
	s7 =	simm.s32 @p2 $0x1082  }
0x22: {  	[simem:s7], [sflag:s8] =	dma.local @!p0 [hbm:s6], $0xF7A  }
0x23: {  	s9 =	sor.u32 $0xD0000000, s2;
	s6 =	simm.s32 $0x108;
	_ =	swait.ge @!p0 [sflag:s8], $0x0  }
0x24: {  	s3 =	sadd.s32 $0x88, s3;
	s6 =	simm.s32 @!p1 $0x1082;
	[sflag:s4] =	ssyncset.s32 $0xFFFFF086  }
0x25: {  	[simem:s6], [sflag:s4] =	dma.local [hbm:s3], $0xF7A  }
0x26: {  	[smem:$0x3F9F] =	sst s1;
	(tag) =	ssettag s2;
	_ =	strace s9  }
0x27: {  	s1 =	sld [smem:$0x3FAF]  }
0x28: {  	s2 =	sld [smem:$0x3FB0]  }
0x29: {  	s4 =	sld [smem:$0x3FB2]  }
0x2a: {  	p0 =	seq.s32 s5, $0x0;
	s5 =	sld [smem:$0x3FB3]  }
0x2b: {  	s6 =	sld [smem:$0x3FB4]  }
0x2c: {  	s7 =	sld [smem:$0x3FB5]  }
0x2d: {  	s3 =	simm.s32 $0x108;
	s8 =	sld [smem:$0x3FB6]  }
0x2e: {  	s3 =	simm.s32 @!p0 $0x1082;
	s9 =	sld [smem:$0x3FB7]  }
0x2f: {  	lr =	sadd.s32 s0, s3;
	s0 =	sld [smem:$0x3FAE]  }
0x30: {  	s3 =	sld [smem:$0x3FB1]  }
0x31: {  	[smem:$0x3FBA] =	sst s10  }
0x32: {  	s10 =	sld [smem:$0x3FB8];
	_ =	sdelay $0x3  }
0x33: {  	p0 =	seq.s32 s10, $0x1;
	s10 =	sld [smem:$0x3FBA];
	_ =	sdelay $0x3  }
0x34: {  	[smem:$0x3FBA] =	sst s10  }
0x35: {  	s10 =	sld [smem:$0x3FB9];
	_ =	sdelay $0x3  }
0x36: {  	p1 =	seq.s32 s10, $0x1;
	s10 =	sld [smem:$0x3FBA];
	_ =	sdelay $0x3  }
0x37: {  	[smem:$0x3FBA] =	sst s10  }
0x38: {  	s10 =	sld [smem:$0x3FBB]  }
0x39: {  	_ = 	snop;
	(pc) =	sbr.ind lr, $3  }
0x3a: {  	_ = 	snop  }
0x3b: {  	_ = 	snop  }
0x3c: {  	p2 =	seq.s32 s10, $0x1;
	s10 =	sld [smem:$0x3FBA]  }
0x3d: {  	_ =	shalt  }
0x3e: {  	_ =	shalt  }
0x3f: {  	_ =	shalt  }
0x40: {  	_ =	shalt  }
0x41: {  	_ =	shalt  }
0x42: {  	_ =	shalt  }
0x43: {  	_ =	shalt  }
0x44: {  	_ =	shalt  }
0x45: {  	_ =	shalt  }
0x46: {  	_ =	shalt  }
0x47: {  	_ =	shalt  }
0x48: {  	_ =	shalt  }
0x49: {  	_ =	shalt  }
0x4a: {  	_ =	shalt  }
0x4b: {  	_ =	shalt  }
0x4c: {  	_ =	shalt  }
0x4d: {  	_ =	shalt  }
0x4e: {  	_ =	shalt  }
0x4f: {  	_ =	shalt  }
0x50: {  	_ =	shalt  }
0x51: {  	_ =	shalt  }
0x52: {  	_ =	shalt  }
0x53: {  	_ =	shalt  }
0x54: {  	_ =	shalt  }
0x55: {  	_ =	shalt  }
0x56: {  	_ =	shalt  }
0x57: {  	_ =	shalt  }
0x58: {  	_ =	shalt  }
0x59: {  	_ =	shalt  }
0x5a: {  	_ =	shalt  }
0x5b: {  	_ =	shalt  }
0x5c: {  	_ =	shalt  }
0x5d: {  	_ =	shalt  }
0x5e: {  	_ =	shalt  }
0x5f: {  	_ =	shalt  }
0x60: {  	_ =	shalt  }
0x61: {  	_ =	shalt  }
0x62: {  	_ =	shalt  }
0x63: {  	_ =	shalt  }
0x64: {  	_ =	shalt  }
0x65: {  	_ =	shalt  }
0x66: {  	_ =	shalt  }
0x67: {  	_ =	shalt  }
0x68: {  	_ =	shalt  }
0x69: {  	_ =	shalt  }
0x6a: {  	_ =	shalt  }
0x6b: {  	_ =	shalt  }
0x6c: {  	_ =	shalt  }
0x6d: {  	_ =	shalt  }
0x6e: {  	_ =	shalt  }
0x6f: {  	_ =	shalt  }
0x70: {  	_ =	shalt  }
0x71: {  	_ =	shalt  }
0x72: {  	_ =	shalt  }
0x73: {  	_ =	shalt  }
0x74: {  	_ =	shalt  }
0x75: {  	_ =	shalt  }
0x76: {  	_ =	shalt  }
0x77: {  	_ =	shalt  }
0x78: {  	_ =	shalt  }
0x79: {  	_ =	shalt  }
0x7a: {  	_ =	shalt  }
0x7b: {  	_ =	shalt  }
0x7c: {  	_ =	shalt  }
0x7d: {  	_ =	shalt  }
0x7e: {  	_ =	shalt  }
0x7f: {  	_ =	shalt  }
0x80: {  	_ =	shalt  }
0x81: {  	_ =	shalt  }
0x82: {  	_ =	shalt  }
0x83: {  	_ =	shalt  }
0x84: {  	_ =	shalt  }
0x85: {  	_ =	shalt  }
0x86: {  	_ =	shalt  }
0x87: {  	_ =	shalt  }
.Lfunc_end0:
.L_simem_size_0:
called_computation_lowered:
.L_overlay_start_0:
0x88: {  	s2 =	sld [smem:$0x3FD9]  }
0x89: {  	s3 =	sld [smem:$0x3FFE];
	_ =	sdelay $0x1  }
0x8a: {  	s1 =	srdreg.scid  }
0x8b: {  	s0 =	sand.u32 $0x1, s1  }
0x8c: {  	s18 =	sshll.u32 s0, $0xA;
	s2 =	sadd.s32 s3, s2  }
0x8d: {  	s2 =	sadd.s32 s2, s18  }
0x8e: {  	[smem:$0x3FC6] =	sst s2  }
0x8f: {  	_ = 	snop  }
0x90: {  	s2 =	sld [smem:$0x3FC9]  }
0x91: {  	s19 =	sld [smem:$0x3FC8]  }
0x92: {  	s4 =	sld [smem:$0x3FD0];
	(tm) =	ssettm $0x1  }
0x93: {  	s5 =	sld [smem:$0x3FFB];
	_ =	sdelay $0x3  }
0x94: {  	_ =	strace s5  }
0x95: {  	s5 =	sld [smem:$0x3FFC];
	_ =	sdelay $0x3  }
0x96: {  	_ =	strace s5  }
0x97: {  	s5 =	sld [smem:$0x3FFD];
	_ =	sdelay $0x3  }
0x98: {  	_ =	strace s5  }
0x99: {  	_ =	strace $0x8FFFFFFF  }
0x9a: {  	s20 =	sld [smem:$0x3FDB];
	_ =	sdelay $0x1  }
0x9b: {  	s6 =	simm.s32 $_scs_section_size  }
0x9c: {  	s7 =	simm.s32 $_size__tile_overlayer_lowered;
	s8 =	simm.s32 $_tile_overlayer_lowered  }
0x9d: {  	s23 =	simm.s32 $0x1BFF;
	s22 =	sshll.u32 s8, $0x1;
	s5 =	sadd.s32 s6, s20  }
0x9e: {  	s9 =	simm.s32 $0x0;
	s21 =	sshll.u32 s7, $0x1;
	s7 =	sadd.s32 s22, s5  }
0x9f: {  	[timem:s9], [sflag:s23] =	dma.local [hbm:s7], s21  }
0xa0: {  	_ =	swait.ge [sflag:s23], s21  }
0xa1: {  	s6 =	ssub.s32 $0x0, s21;
	[sflag:s23] =	ssyncset.done $0x0  }
0xa2: {  	[sflag:s23] =	ssyncadd.s32 s6;
	_ =	sdelay $0x1  }
0xa3: {  	s24 =	simm.s32 $0x1B8B  }
0xa4: {  	_ =	swait.ge [sflag:s24], $0x1  }
0xa5: {  	[sflag:s24] =	ssyncset.done $0x0  }
0xa6: {  	s25 =	simm.s32 $0x1B8E;
	[sflag:s24] =	ssyncadd.s32 $0xFFFFFFFF  }
0xa7: {  	s26 =	simm.s32 $execute0_lowered;
	[smem:$0x3FD2] =	sst s25  }
0xa8: {  	s6 =	sshll.u32 s26, $0x1;
	_ =	strace $0x80000046;
	[dreg:$0x1] =	wrdreg $0xFFFFFFFF  }
0xa9: {  	s28 =	simm.s32 $_size_execute0_lowered;
	s5 =	sadd.s32 s5, s6;
	[dreg:$0x0] =	wrdreg $0x0  }
0xaa: {  	s6 =	sshll.u32 s28, $0x1;
	[dreg:$0x2] =	wrdreg s5  }
0xab: {  	[dreg:$0x3] =	wrdreg s6  }
0xac: {  	[dreg:$0x4] =	wrdreg $0xC0  }
0xad: {  	_ =	task [dreg:s9], $0x5FFFF  }
0xae: {  	[dreg:$0x1] =	wrdreg $0xFFFFFFFF  }
0xaf: {  	[dreg:$0x0] =	wrdreg $0x60  }
0xb0: {  	[dreg:$0x2] =	wrdreg s2  }
0xb1: {  	[dreg:$0x3] =	wrdreg s19  }
0xb2: {  	[dreg:$0x4] =	wrdreg s4  }
0xb3: {  	[dreg:$0x5] =	wrdreg $0x9  }
0xb4: {  	_ =	task.clear_ibuf [dreg:s9], $0x6FFFF;
	_ =	strace $0x90000046  }
0xb5: {  	s29 =	simm.s32 $0x9;
	_ =	strace $0x80000048  }
0xb6: {  	_ =	swait.ge [sflag:s29], $0x1  }
0xb7: {  	[sflag:s29] =	ssyncadd.s32 $0xFFFFFFFF  }
0xb8: {  	_ =	strace $0x90000048  }
0xb9: {  	_ =	sfence  }
0xba: {  	s30 =	sld [smem:$0x0];
	_ =	sdelay $0x2  }
0xbb: {  	s31 =	sshll.u32 s1, $0xD;
	s1 =	sshrl.u32 s1, $0x2  }
0xbc: {  	s3 =	sand.u32 $0x4000, s31;
	s1 =	sadd.s32 s1, s30  }
0xbd: {  	s0 =	sor.u32 s3, s0;
	s1 =	sshll.u32 s1, $0x11  }
0xbe: {  	s0 =	sor.u32 s1, s0  }
0xbf: {  	s0 =	sadd.s32 $0x8F2B, s0  }
0xc0: {  	[sflag:s0] =	ssyncadd.remote.s32 $0x1  }
0xc1: {  	_ =	sfence.sel $0xFFFF  }
0xc2: {  	[dreg:$0x0] =	wrdreg $0xFFFFFFFF;
	(pc) =	sbr.abs _section_cstart, $3  }
0xc3: {  	[dreg:$0x1] =	wrdreg $0xFFFFFFFF  }
0xc4: {  	_ =	task.clear_ibuf [dreg:s9], $0x2FFFF;
	_ =	strace $0x9FFFFFFF  }
0xc5: {  	(tm) =	ssettm $0x7FFFFFFF  }
tec
execute0_lowered:
.L_overlay_start_1:
0x0: {  	(tag) =	ssettag $0x1  }
0x1: {  	s1 =	rddreg [dreg:$0x0]  }
0x2: {  	s2 =	rddreg [dreg:$0x1];
	s4 =	srdreg.scid  }
0x3: {  	s0 =	stileid.u32;
	s3 =	rddreg [dreg:$0x2]  }
0x4: {  	s9 =	simm.s32 $0x400;
	s10 =	simm.s32 $0x8000;
	s11 =	simm.s32 $0x1800  }
0x5: {  	s12 =	simm.s32 $0x5;
	s13 =	simm.s32 $0x80;
	s14 =	simm.s32 $0x1C00  }
0x6: {  	s15 =	simm.s32 $0x1D00;
	s16 =	simm.s32 $0x1C80;
	s17 =	simm.s32 $0x5D00  }
0x7: {  	s18 =	simm.s32 $0x1;
	s19 =	simm.s32 $0x9D00;
	s20 =	simm.s32 $0x2  }
0x8: {  	v0 =	vlaneseq.u32;
	s21 =	simm.s32 $0x4;
	s22 =	simm.s32 $0xBD00;
	s23 =	simm.s32 $0x3  }
0x9: {  	s24 =	simm.s32 $0x0;
	s5 =	sand.u32 $0x1, s4;
	s29 =	sshll.u32 s0, $0x1;
	v0 =	vmul.u32 $0x80, v0  }
0xa: {  	s4 =	simm.s32 $0x0;
	s7 =	sor.u32 s5, s29;
	s6 =	ssub.s32 $0x2, s5  }
0xb: {  	[smem:$0x7FF] =	sst s4;
	s30 =	sshll.u32 s7, $0x7;
	s8 =	sshrl.u32 s6, $0x1;
	v1 =	vor.u32 $0x800, v0  }
0xc: {  	_ =	strace $0x80000047;
	v2 =	vor.u32 $0x1000, v0;
	v3 =	vor.u32 $0x1800, v0;
	v4 =	vor.u32 $0x2000, v0;
	s5 =	sadd.s32 s1, s30;
	s31 =	ssub.s32 s6, s8  }
0xd: {  	s7 =	sshll.u32 s7, $0xA;
	v5 =	vor.u32 $0x2800, v0;
	v6 =	vor.u32 $0x3000, v0;
	v7 =	vor.u32 $0x3800, v0;
	s6 =	sadd.s32 $0x6000, s5;
	s8 =	smax.u32 s31, $0x1  }
.LBB2_1:
0xe: {  	[tilespmem:s4], [sflag:$0x5] =	stream.strided.gather [hbm4b:s5+s9], $0x1800, s10, s9, $0x38;
	[tilespmem:$0xDD00] =	vst v63  }
0xf: {  	_ = 	snop  }
0x10: {  	[tilespmem:s11], [sflag:$0x5] =	stream.linear.gather [hbm4b:s6+s4], $0x100, $0x38;
	[tilespmem:$0xDD00] =	vst v63  }
0x11: {  	_ =	swait.ge [sflag:s12], $0x1900  }
0x12: {  	[sflag:s12] =	ssyncset.done $0x0  }
0x13: {  	[sflag:s12] =	ssyncadd.s32 $0xFFFFE700  }
0x14: {  	v8 =	vld [tilespmem:$0x0]  }
0x15: {  	v9 =	vld [tilespmem:$0x10]  }
0x16: {  	v10 =	vld [tilespmem:$0x20]  }
0x17: {  	v11 =	vld [tilespmem:$0x30]  }
0x18: {  	v12 =	vld [tilespmem:$0x40]  }
0x19: {  	v62 =	vld [tilespmem:$0x60];
	[tilespmem:$0x1C00] =	vst v8  }
0x1a: {  	v63 =	vld [tilespmem:$0x70];
	[tilespmem:$0x1C10] =	vst v9  }
0x1b: {  	v8 =	vld [tilespmem:$0x50];
	[tilespmem:$0x1C20] =	vst v10  }
0x1c: {  	[tilespmem:$0x1C30] =	vst v11  }
0x1d: {  	[tilespmem:$0x1C40] =	vst v12  }
0x1e: {  	[tilespmem:$0x1C60] =	vst v62  }
0x1f: {  	[tilespmem:$0x1C70] =	vst v63  }
0x20: {  	s25 =	simm.s32 $0x0;
	[tilespmem:$0x1C50] =	vst v8  }
0x21: {  	[tilespmem:s15], [sflag:$0x1] =	stream.indirect.gather [hbm4b:s2+s13], $0x80, s14, s13, $0xb8;
	[tilespmem:$0xDD00] =	vst v63  }
.LBB2_2:
0x22: {  	s26 =	sshllo.u32 s25, $0x1  }
0x23: {  	s1 =	sshll.u32 s26, $0x7  }
0x24: {  	s1 =	sand.u32 $0x3FFFFF80, s1  }
0x25: {  	v8 =	vld [tilespmem:s1+$0x0];
	_ =	sdelay $0x4  }
0x26: {  	[tilespmem:$0x1C80] =	vst v8  }
0x27: {  	v8 =	vld [tilespmem:s1+$0x10];
	_ =	sdelay $0x4  }
0x28: {  	[tilespmem:$0x1C90] =	vst v8  }
0x29: {  	v8 =	vld [tilespmem:s1+$0x20];
	_ =	sdelay $0x4  }
0x2a: {  	[tilespmem:$0x1CA0] =	vst v8  }
0x2b: {  	v8 =	vld [tilespmem:s1+$0x30];
	_ =	sdelay $0x4  }
0x2c: {  	[tilespmem:$0x1CB0] =	vst v8  }
0x2d: {  	v8 =	vld [tilespmem:s1+$0x40];
	_ =	sdelay $0x4  }
0x2e: {  	[tilespmem:$0x1CC0] =	vst v8  }
0x2f: {  	v8 =	vld [tilespmem:s1+$0x50];
	_ =	sdelay $0x4  }
0x30: {  	[tilespmem:$0x1CD0] =	vst v8  }
0x31: {  	v8 =	vld [tilespmem:s1+$0x60];
	_ =	sdelay $0x4  }
0x32: {  	[tilespmem:$0x1CE0] =	vst v8  }
0x33: {  	v8 =	vld [tilespmem:s1+$0x70];
	_ =	sdelay $0x2  }
0x34: {  	s1 =	simm.s32 $0x3  }
0x35: {  	s28 =	simm.s32 $0x1;
	v9 =	vmov s1  }
0x36: {  	s1 =	simm.s32 $0x2;
	v9 =	vand.u32 $0x7F, v9;
	[tilespmem:$0x1CF0] =	vst v8;
	v8 =	vmov s28  }
0x37: {  	v10 =	vmov s1;
	v14 =	vbroadcast v9, $0x0;
	[tilespmem:s17], [sflag:$0x2] =	stream.indirect.gather [hbm4b:s2+s13], $0x80, s16, s13, $0xb8;
	v8 =	vand.u32 $0x7D, v8;
	[tilespmem:$0xDD00] =	vst v63  }
0x38: {  	s1 =	simm.s32 $0x0;
	_ =	swait.ge [sflag:s18], $0x4000;
	v16 =	vbroadcast v8, $0x0;
	v8 =	vand.u32 $0x7E, v10  }
0x39: {  	p0 =	seq.s32 s25, $0x0;
	v9 =	vmov s1;
	[sflag:s18] =	ssyncset.done $0x0;
	v17 =	vbroadcast v8, $0x0;
	v8 =	vor.u32 v0, v14  }
0x3a: {  	s1 =	simm.s32 @!p0 $0x3;
	v9 =	vand.u32 $0x7C, v9;
	[sflag:s18] =	ssyncadd.s32 $0xFFFFC000;
	v10 =	vor.u32 v0, v16  }
0x3b: {  	v12 =	vbroadcast v9, $0x0;
	_ =	swait.ge @!p0 [sflag:s1], $0x2000;
	v9 =	vor.u32 v0, v17  }
0x3c: {  	[sflag:s1] =	ssyncset.done @!p0 $0x0  }
0x3d: {  	v11 =	vor.u32 v0, v12;
	[sflag:s1] =	ssyncadd.s32 @!p0 $0xFFFFE000  }
0x3e: {  	v8 =	vld.idx.msk [tilespmem:v8+s15+$0x0], $0xffff  }
0x3f: {  	v13 =	vor.u32 v1, v14;
	v10 =	vld.idx.msk [tilespmem:v10+s15+$0x0], $0xffff  }
0x40: {  	v15 =	vor.u32 v1, v16;
	v9 =	vld.idx.msk [tilespmem:v9+s15+$0x0], $0xffff  }
0x41: {  	v18 =	vor.u32 v1, v17  }
0x42: {  	s29 =	simm.s32 $0x9E00;
	v11 =	vld.idx.msk [tilespmem:v11+s15+$0x0], $0xffff  }
0x43: {  	v19 =	vor.u32 v1, v12;
	[tilespmem:s29+$0x80] =	vst v8  }
0x44: {  	[tilespmem:s29+$0xFFFFFF80] =	vst v10;
	v8 =	vld.idx.msk [tilespmem:v13+s15+$0x0], $0xffff  }
0x45: {  	v10 =	vld.idx.msk [tilespmem:v15+s15+$0x0], $0xffff;
	[tilespmem:s29+$0x0] =	vst v9;
	v9 =	vor.u32 v2, v14  }
0x46: {  	v15 =	vor.u32 v2, v16;
	v13 =	vld.idx.msk [tilespmem:v18+s15+$0x0], $0xffff  }
0x47: {  	[tilespmem:s29+$0xFFFFFF00] =	vst v11;
	v11 =	vor.u32 v2, v17  }
0x48: {  	v18 =	vld.idx.msk [tilespmem:v19+s15+$0x0], $0xffff  }
0x49: {  	s1 =	simm.s32 $0x4;
	v19 =	vor.u32 v2, v12;
	[tilespmem:s29+$0x90] =	vst v8  }
0x4a: {  	v8 =	vmov s1;
	[tilespmem:s29+$0xFFFFFF90] =	vst v10;
	v10 =	vld.idx.msk [tilespmem:v9+s15+$0x0], $0xffff  }
0x4b: {  	s1 =	simm.s32 $0x5;
	v8 =	vand.u32 $0x7C, v8;
	v15 =	vld.idx.msk [tilespmem:v15+s15+$0x0], $0xffff;
	[tilespmem:s29+$0x10] =	vst v13;
	v13 =	vor.u32 v3, v14  }
0x4c: {  	v20 =	vor.u32 v3, v16;
	v9 =	vmov s1;
	v8 =	vbroadcast v8, $0x0;
	v11 =	vld.idx.msk [tilespmem:v11+s15+$0x0], $0xffff  }
0x4d: {  	v9 =	vand.u32 $0x7D, v9;
	[tilespmem:s29+$0xFFFFFF10] =	vst v18;
	v18 =	vor.u32 v3, v17  }
0x4e: {  	v9 =	vbroadcast v9, $0x0;
	v19 =	vld.idx.msk [tilespmem:v19+s15+$0x0], $0xffff;
	v21 =	vor.u32 v0, v8  }
0x4f: {  	v22 =	vor.u32 v3, v12;
	s1 =	simm.s32 $0x7;
	[tilespmem:s29+$0xA0] =	vst v10  }
0x50: {  	v23 =	vor.u32 v0, v9;
	v10 =	vmov s1;
	s1 =	simm.s32 $0x6;
	[tilespmem:s29+$0xFFFFFFA0] =	vst v15;
	v15 =	vld.idx.msk [tilespmem:v13+s15+$0x0], $0xffff  }
0x51: {  	v10 =	vand.u32 $0x7F, v10;
	v25 =	vmov s1;
	v20 =	vld.idx.msk [tilespmem:v20+s15+$0x0], $0xffff;
	[tilespmem:s29+$0x20] =	vst v11;
	v11 =	vor.u32 v4, v14  }
0x52: {  	v24 =	vor.u32 v4, v16;
	v13 =	vbroadcast v10, $0x0;
	v10 =	vand.u32 $0x7E, v25;
	v18 =	vld.idx.msk [tilespmem:v18+s15+$0x0], $0xffff  }
0x53: {  	[tilespmem:s29+$0xFFFFFF20] =	vst v19;
	v19 =	vor.u32 v4, v17;
	v21 =	vld.idx.msk [tilespmem:v21+s15+$0x0], $0xffff;
	v10 =	vbroadcast v10, $0x0  }
0x54: {  	v22 =	vld.idx.msk [tilespmem:v22+s15+$0x0], $0xffff;
	v25 =	vor.u32 v0, v13  }
0x55: {  	v23 =	vld.idx.msk [tilespmem:v23+s15+$0x0], $0xffff;
	v26 =	vor.u32 v0, v10;
	[tilespmem:s29+$0xB0] =	vst v15  }
0x56: {  	s30 =	simm.s32 $0x8;
	v15 =	vor.u32 v4, v12;
	[tilespmem:s29+$0xFFFFFFB0] =	vst v20;
	v20 =	vld.idx.msk [tilespmem:v11+s15+$0x0], $0xffff  }
0x57: {  	v11 =	vmov s30;
	v24 =	vld.idx.msk [tilespmem:v24+s15+$0x0], $0xffff;
	[tilespmem:s29+$0x30] =	vst v18;
	v18 =	vor.u32 v5, v14  }
0x58: {  	v27 =	vor.u32 v5, v16;
	v11 =	vand.u32 $0x7C, v11;
	v19 =	vld.idx.msk [tilespmem:v19+s15+$0x0], $0xffff  }
0x59: {  	s28 =	simm.s32 $0xA000;
	[tilespmem:s29+$0xFFFFFF30] =	vst v22;
	v11 =	vbroadcast v11, $0x0;
	v22 =	vld.idx.msk [tilespmem:v25+s15+$0x0], $0xffff;
	v25 =	vor.u32 v5, v17  }
0x5a: {  	v30 =	vor.u32 v1, v13;
	[tilespmem:s28+$0xFFFFFF80] =	vst v23;
	v26 =	vld.idx.msk [tilespmem:v26+s15+$0x0], $0xffff  }
0x5b: {  	v28 =	vor.u32 v0, v11;
	v29 =	vld.idx.msk [tilespmem:v15+s15+$0x0], $0xffff;
	[tilespmem:s29+$0xC0] =	vst v20  }
0x5c: {  	v20 =	vor.u32 v1, v9;
	[tilespmem:s29+$0xFFFFFFC0] =	vst v24;
	v18 =	vld.idx.msk [tilespmem:v18+s15+$0x0], $0xffff  }
0x5d: {  	v23 =	vor.u32 v5, v12;
	v27 =	vld.idx.msk [tilespmem:v27+s15+$0x0], $0xffff;
	[tilespmem:s29+$0x40] =	vst v19  }
0x5e: {  	v24 =	vor.u32 v1, v10;
	[tilespmem:s28+$0x80] =	vst v22;
	v19 =	vld.idx.msk [tilespmem:v25+s15+$0x0], $0xffff  }
0x5f: {  	v25 =	vor.u32 v6, v14;
	v22 =	vld.idx.msk [tilespmem:v30+s15+$0x0], $0xffff  }
0x60: {  	[tilespmem:s28+$0x0] =	vst v26;
	v26 =	vor.u32 v6, v16;
	v15 =	vld.idx.msk [tilespmem:v28+s15+$0x0], $0xffff  }
0x61: {  	v28 =	vor.u32 v1, v8;
	[tilespmem:s29+$0xFFFFFF40] =	vst v29;
	v20 =	vld.idx.msk [tilespmem:v20+s15+$0x0], $0xffff  }
0x62: {  	[tilespmem:s28+$0xFFFFFF00] =	vst v21;
	v30 =	vor.u32 v2, v13;
	v23 =	vld.idx.msk [tilespmem:v23+s15+$0x0], $0xffff  }
0x63: {  	v21 =	vor.u32 v2, v9;
	v24 =	vld.idx.msk [tilespmem:v24+s15+$0x0], $0xffff;
	[tilespmem:s29+$0xD0] =	vst v18  }
0x64: {  	v31 =	vor.u32 v2, v10;
	[tilespmem:s29+$0xFFFFFFD0] =	vst v27;
	v25 =	vld.idx.msk [tilespmem:v25+s15+$0x0], $0xffff  }
0x65: {  	v14 =	vor.u32 v7, v14;
	v18 =	vld.idx.msk [tilespmem:v26+s15+$0x0], $0xffff  }
0x66: {  	[tilespmem:s28+$0x90] =	vst v22;
	v28 =	vld.idx.msk [tilespmem:v28+s15+$0x0], $0xffff  }
0x67: {  	v26 =	vor.u32 v6, v12;
	[tilespmem:s28+$0xFFFFFF90] =	vst v20;
	v20 =	vld.idx.msk [tilespmem:v30+s15+$0x0], $0xffff  }
0x68: {  	s1 =	simm.s32 $0x9;
	v27 =	vor.u32 v2, v8;
	v29 =	vld.idx.msk [tilespmem:v21+s15+$0x0], $0xffff;
	[tilespmem:s28+$0x10] =	vst v24  }
0x69: {  	v22 =	vor.u32 v6, v17;
	v21 =	vmov s1;
	v30 =	vld.idx.msk [tilespmem:v31+s15+$0x0], $0xffff;
	[tilespmem:s29+$0xE0] =	vst v25  }
0x6a: {  	[tilespmem:s29+$0x50] =	vst v19;
	v31 =	vor.u32 v3, v13;
	v25 =	vld.idx.msk [tilespmem:v14+s15+$0x0], $0xffff;
	v14 =	vand.u32 $0x7D, v21  }
0x6b: {  	v32 =	vor.u32 v3, v9;
	[tilespmem:s29+$0xFFFFFF50] =	vst v23;
	v14 =	vbroadcast v14, $0x0  }
0x6c: {  	v19 =	vld.idx.msk [tilespmem:v26+s15+$0x0], $0xffff;
	[tilespmem:s28+$0xFFFFFF10] =	vst v28;
	v28 =	vor.u32 v3, v10  }
0x6d: {  	v24 =	vld.idx.msk [tilespmem:v27+s15+$0x0], $0xffff;
	[tilespmem:s28+$0xA0] =	vst v20;
	v20 =	vor.u32 v0, v14  }
0x6e: {  	v26 =	vor.u32 v3, v8;
	v21 =	vld.idx.msk [tilespmem:v22+s15+$0x0], $0xffff  }
0x6f: {  	v16 =	vor.u32 v7, v16;
	[tilespmem:s28+$0xFFFFFFA0] =	vst v29;
	v22 =	vld.idx.msk [tilespmem:v31+s15+$0x0], $0xffff  }
0x70: {  	s31 =	simm.s32 $0xC;
	s1 =	simm.s32 $0xB;
	v27 =	vor.u32 v7, v17;
	v23 =	vld.idx.msk [tilespmem:v32+s15+$0x0], $0xffff;
	[tilespmem:s28+$0x20] =	vst v30  }
.LBB2_3:
0x71: {  	p1 =	slt.u32 s31, $0x3C;
	v17 =	vmov s1;
	v28 =	vld.idx.msk [tilespmem:v28+s15+$0x0], $0xffff;
	v29 =	vor.u32 v4, v13;
	[tilespmem:s29+$0xF0] =	vst v25  }
0x72: {  	s1 =	sadd.s32 $0x2, s30;
	s30 =	smov.u32 s31;
	v20 =	vld.idx.msk [tilespmem:v20+s15+$0x0], $0xffff;
	v17 =	vand.u32 $0x7F, v17;
	[tilespmem:s28+$0xFFFFFF20] =	vst v24;
	v24 =	vor.u32 v4, v9  }
0x73: {  	v30 =	vor.u32 v4, v10;
	v25 =	vmov s1;
	v17 =	vbroadcast v17, $0x0;
	v26 =	vld.idx.msk [tilespmem:v26+s15+$0x0], $0xffff;
	[tilespmem:s29+$0xFFFFFFE0] =	vst v18  }
0x74: {  	v18 =	vand.u32 $0x7E, v25;
	v25 =	vor.u32 v7, v12;
	v12 =	vmovc v8;
	v8 =	vmov v11;
	v16 =	vld.idx.msk [tilespmem:v16+s15+$0x0], $0xffff;
	[tilespmem:s29+$0x60] =	vst v21  }
0x75: {  	v31 =	vbroadcast v18, $0x0;
	v18 =	vor.u32 v0, v17;
	[tilespmem:s28+$0xB0] =	vst v22;
	v21 =	vld.idx.msk [tilespmem:v27+s15+$0x0], $0xffff  }
0x76: {  	v22 =	vor.u32 v4, v12;
	[tilespmem:s28+$0xFFFFFFB0] =	vst v23;
	v23 =	vld.idx.msk [tilespmem:v29+s15+$0x0], $0xffff  }
0x77: {  	v11 =	vmov s31;
	v27 =	vor.u32 v0, v31;
	v24 =	vld.idx.msk [tilespmem:v24+s15+$0x0], $0xffff;
	[tilespmem:s28+$0x30] =	vst v28  }
0x78: {  	v11 =	vand.u32 $0x7C, v11;
	v29 =	vor.u32 v5, v13;
	v28 =	vld.idx.msk [tilespmem:v30+s15+$0x0], $0xffff;
	[tilespmem:s29+$0xFFFFFF60] =	vst v19  }
0x79: {  	v11 =	vbroadcast v11, $0x0;
	v19 =	vor.u32 v5, v9;
	[tilespmem:s28+$0xFFFFFF30] =	vst v26;
	v25 =	vld.idx.msk [tilespmem:v25+s15+$0x0], $0xffff  }
0x7a: {  	v26 =	vor.u32 v5, v10;
	v18 =	vld.idx.msk [tilespmem:v18+s15+$0x0], $0xffff;
	[tilespmem:s29+$0xFFFFFFF0] =	vst v16  }
0x7b: {  	v16 =	vor.u32 v0, v11;
	v22 =	vld.idx.msk [tilespmem:v22+s15+$0x0], $0xffff;
	[tilespmem:s29+$0x70] =	vst v21  }
0x7c: {  	v21 =	vld.idx.msk [tilespmem:v27+s15+$0x0], $0xffff;
	v27 =	vor.u32 v1, v17;
	[tilespmem:s28+$0xC0] =	vst v23  }
0x7d: {  	v23 =	vor.u32 v1, v14;
	[tilespmem:s28+$0xFFFFFFC0] =	vst v24;
	v24 =	vld.idx.msk [tilespmem:v29+s15+$0x0], $0xffff  }
0x7e: {  	v29 =	vor.u32 v1, v31;
	v19 =	vld.idx.msk [tilespmem:v19+s15+$0x0], $0xffff;
	[tilespmem:s28+$0x40] =	vst v28  }
0x7f: {  	v28 =	vor.u32 v6, v13;
	v26 =	vld.idx.msk [tilespmem:v26+s15+$0x0], $0xffff;
	[tilespmem:s29+$0xFFFFFF70] =	vst v25;
	s29 =	smov.u32 s28;
	s28 =	sadd.s32 $0x200, s28  }
0x80: {  	v25 =	vor.u32 v1, v8;
	v16 =	vld.idx.msk [tilespmem:v16+s15+$0x0], $0xffff;
	[tilespmem:s28+$0x80] =	vst v18  }
0x81: {  	[tilespmem:s28+$0xFFFFFF80] =	vst v20;
	v18 =	vld.idx.msk [tilespmem:v27+s15+$0x0], $0xffff;
	v20 =	vor.u32 v5, v12  }
0x82: {  	v23 =	vld.idx.msk [tilespmem:v23+s15+$0x0], $0xffff;
	[tilespmem:s28+$0x0] =	vst v21;
	v21 =	vor.u32 v6, v9  }
0x83: {  	v27 =	vld.idx.msk [tilespmem:v29+s15+$0x0], $0xffff;
	v29 =	vor.u32 v2, v17;
	[tilespmem:s29+$0xD0] =	vst v24  }
0x84: {  	v24 =	vor.u32 v2, v14;
	[tilespmem:s28+$0xFFFFFF00] =	vst v15;
	v28 =	vld.idx.msk [tilespmem:v28+s15+$0x0], $0xffff  }
0x85: {  	v30 =	vor.u32 v2, v31;
	v25 =	vld.idx.msk [tilespmem:v25+s15+$0x0], $0xffff;
	[tilespmem:s29+$0xFFFFFF40] =	vst v22  }
0x86: {  	v15 =	vmov v16;
	v22 =	vld.idx.msk [tilespmem:v20+s15+$0x0], $0xffff;
	[tilespmem:s29+$0xFFFFFFD0] =	vst v19;
	v19 =	vor.u32 v7, v13;
	v13 =	vmov v17  }
0x87: {  	v16 =	vor.u32 v2, v8;
	[tilespmem:s28+$0x90] =	vst v18;
	v18 =	vld.idx.msk [tilespmem:v21+s15+$0x0], $0xffff  }
0x88: {  	s1 =	sadd.s32 $0x1, s31;
	v21 =	vor.u32 v6, v10;
	[tilespmem:s28+$0xFFFFFF90] =	vst v23;
	v17 =	vld.idx.msk [tilespmem:v29+s15+$0x0], $0xffff  }
0x89: {  	v20 =	vmov s1;
	v23 =	vld.idx.msk [tilespmem:v24+s15+$0x0], $0xffff;
	[tilespmem:s28+$0x10] =	vst v27;
	v27 =	vor.u32 v6, v12  }
0x8a: {  	v20 =	vand.u32 $0x7D, v20;
	v29 =	vld.idx.msk [tilespmem:v30+s15+$0x0], $0xffff;
	v30 =	vor.u32 v3, v13;
	[tilespmem:s29+$0xE0] =	vst v28  }
0x8b: {  	v33 =	vor.u32 v3, v14;
	v32 =	vbroadcast v20, $0x0;
	[tilespmem:s28+$0xFFFFFF10] =	vst v25;
	v25 =	vld.idx.msk [tilespmem:v19+s15+$0x0], $0xffff  }
.Ltmp0:
0x8c: {  	v28 =	vor.u32 v3, v31;
	v24 =	vld.idx.msk [tilespmem:v16+s15+$0x0], $0xffff;
	[tilespmem:s29+$0x50] =	vst v26;
	(pc) =	sbr.rel @p1 .LBB2_3-.Ltmp0, $4  }
0x8d: {  	v20 =	vor.u32 v0, v32;
	[tilespmem:s29+$0xFFFFFF50] =	vst v22;
	v21 =	vld.idx.msk [tilespmem:v21+s15+$0x0], $0xffff  }
0x8e: {  	v26 =	vor.u32 v3, v8;
	[tilespmem:s28+$0xA0] =	vst v17;
	v19 =	vld.idx.msk [tilespmem:v27+s15+$0x0], $0xffff  }
0x8f: {  	v16 =	vor.u32 v7, v9;
	v9 =	vmov v14;
	v14 =	vmov v32;
	[tilespmem:s28+$0xFFFFFFA0] =	vst v23;
	v22 =	vld.idx.msk [tilespmem:v30+s15+$0x0], $0xffff  }
0x90: {  	s31 =	sadd.s32 $0x4, s31;
	s1 =	sadd.s32 $0x3, s30;
	v27 =	vor.u32 v7, v10;
	v10 =	vmov v31;
	v23 =	vld.idx.msk [tilespmem:v33+s15+$0x0], $0xffff;
	[tilespmem:s28+$0x20] =	vst v29  }
0x91: {  	_ =	sdelay $0x1  }
0x92: {  	[tilespmem:s29+$0xF0] =	vst v25  }
0x93: {  	[tilespmem:s28+$0xFFFFFF20] =	vst v24  }
0x94: {  	v17 =	vmov s1;
	v32 =	vld.idx.msk [tilespmem:v28+s15+$0x0], $0xffff;
	s30 =	sadd.s32 $0x2, s30;
	[tilespmem:s29+$0xFFFFFFE0] =	vst v18  }
0x95: {  	v33 =	vor.u32 v4, v13;
	v20 =	vld.idx.msk [tilespmem:v20+s15+$0x0], $0xffff;
	v17 =	vand.u32 $0x7F, v17;
	v29 =	vmov s30;
	[tilespmem:s29+$0x60] =	vst v21  }
0x96: {  	v34 =	vor.u32 v4, v9;
	v35 =	vld.idx.msk [tilespmem:v26+s15+$0x0], $0xffff;
	s30 =	sadd.s32 $0x200, s28;
	v17 =	vbroadcast v17, $0x0;
	v29 =	vand.u32 $0x7E, v29;
	[tilespmem:s29+$0xFFFFFF60] =	vst v19  }
0x97: {  	v12 =	vor.u32 v7, v12;
	v37 =	vld.idx.msk [tilespmem:v16+s15+$0x0], $0xffff;
	[tilespmem:s30+$0xFFFFFF00] =	vst v15;
	v16 =	vbroadcast v29, $0x0  }
0x98: {  	[tilespmem:s28+$0xB0] =	vst v22;
	v38 =	vor.u32 v0, v17  }
0x99: {  	v39 =	vld.idx.msk [tilespmem:v27+s15+$0x0], $0xffff;
	[tilespmem:s28+$0xFFFFFFB0] =	vst v23;
	v41 =	vor.u32 v0, v16  }
0x9a: {  	v49 =	vor.u32 v1, v11;
	v40 =	vld.idx.msk [tilespmem:v33+s15+$0x0], $0xffff;
	[tilespmem:s28+$0x30] =	vst v32  }
0x9b: {  	v36 =	vor.u32 v4, v10;
	v24 =	vld.idx.msk [tilespmem:v34+s15+$0x0], $0xffff;
	[tilespmem:s30+$0xFFFFFF80] =	vst v20  }
0x9c: {  	v47 =	vor.u32 v1, v14;
	v12 =	vld.idx.msk [tilespmem:v12+s15+$0x0], $0xffff;
	[tilespmem:s28+$0xFFFFFF30] =	vst v35  }
0x9d: {  	v43 =	vor.u32 v5, v13;
	[tilespmem:s29+$0xFFFFFFF0] =	vst v37;
	v44 =	vld.idx.msk [tilespmem:v38+s15+$0x0], $0xffff  }
0x9e: {  	v45 =	vor.u32 v1, v17;
	[tilespmem:s29+$0x70] =	vst v39;
	v46 =	vld.idx.msk [tilespmem:v41+s15+$0x0], $0xffff  }
0x9f: {  	v48 =	vor.u32 v1, v16;
	v57 =	vld.idx.msk [tilespmem:v49+s15+$0x0], $0xffff;
	[tilespmem:s28+$0xC0] =	vst v40  }
0xa0: {  	v50 =	vor.u32 v4, v8;
	v42 =	vld.idx.msk [tilespmem:v36+s15+$0x0], $0xffff;
	[tilespmem:s28+$0xFFFFFFC0] =	vst v24  }
0xa1: {  	v51 =	vor.u32 v5, v9;
	v53 =	vld.idx.msk [tilespmem:v47+s15+$0x0], $0xffff;
	[tilespmem:s29+$0xFFFFFF70] =	vst v12  }
0xa2: {  	v56 =	vor.u32 v2, v14;
	v18 =	vld.idx.msk [tilespmem:v43+s15+$0x0], $0xffff;
	[tilespmem:s30+$0x80] =	vst v44  }
0xa3: {  	v60 =	vor.u32 v2, v11;
	v52 =	vld.idx.msk [tilespmem:v45+s15+$0x0], $0xffff;
	[tilespmem:s30+$0x0] =	vst v46  }
0xa4: {  	v54 =	vor.u32 v2, v17;
	[tilespmem:s30+$0xFFFFFF10] =	vst v57;
	v55 =	vld.idx.msk [tilespmem:v48+s15+$0x0], $0xffff  }
0xa5: {  	v58 =	vor.u32 v2, v16;
	v59 =	vld.idx.msk [tilespmem:v50+s15+$0x0], $0xffff;
	[tilespmem:s28+$0x40] =	vst v42  }
0xa6: {  	v62 =	vor.u32 v5, v10;
	v25 =	vld.idx.msk [tilespmem:v51+s15+$0x0], $0xffff;
	[tilespmem:s30+$0xFFFFFF90] =	vst v53  }
0xa7: {  	v61 =	vor.u32 v6, v13;
	v15 =	vld.idx.msk [tilespmem:v56+s15+$0x0], $0xffff;
	[tilespmem:s28+$0xD0] =	vst v18  }
0xa8: {  	v29 =	vor.u32 v3, v14;
	v18 =	vld.idx.msk [tilespmem:v60+s15+$0x0], $0xffff;
	[tilespmem:s30+$0x90] =	vst v52  }
0xa9: {  	v32 =	vor.u32 v3, v11;
	v63 =	vld.idx.msk [tilespmem:v54+s15+$0x0], $0xffff;
	[tilespmem:s30+$0x10] =	vst v55  }
0xaa: {  	v28 =	vor.u32 v3, v17;
	[tilespmem:s28+$0xFFFFFF40] =	vst v59;
	v19 =	vld.idx.msk [tilespmem:v58+s15+$0x0], $0xffff  }
0xab: {  	v30 =	vor.u32 v3, v16;
	v20 =	vld.idx.msk [tilespmem:v62+s15+$0x0], $0xffff;
	[tilespmem:s28+$0xFFFFFFD0] =	vst v25  }
0xac: {  	v33 =	vor.u32 v5, v8;
	v31 =	vld.idx.msk [tilespmem:v61+s15+$0x0], $0xffff;
	[tilespmem:s30+$0xFFFFFFA0] =	vst v15  }
0xad: {  	v34 =	vor.u32 v7, v13;
	v12 =	vld.idx.msk [tilespmem:v29+s15+$0x0], $0xffff;
	[tilespmem:s30+$0xFFFFFF20] =	vst v18  }
0xae: {  	v38 =	vor.u32 v4, v14;
	v39 =	vld.idx.msk [tilespmem:v32+s15+$0x0], $0xffff;
	[tilespmem:s30+$0xA0] =	vst v63  }
0xaf: {  	v42 =	vor.u32 v4, v11;
	v35 =	vld.idx.msk [tilespmem:v28+s15+$0x0], $0xffff;
	[tilespmem:s30+$0x20] =	vst v19  }
0xb0: {  	v36 =	vor.u32 v4, v17;
	[tilespmem:s28+$0x50] =	vst v20;
	v37 =	vld.idx.msk [tilespmem:v30+s15+$0x0], $0xffff  }
0xb1: {  	v40 =	vor.u32 v4, v16;
	v41 =	vld.idx.msk [tilespmem:v33+s15+$0x0], $0xffff;
	[tilespmem:s28+$0xE0] =	vst v31  }
0xb2: {  	v43 =	vor.u32 v6, v9;
	v13 =	vld.idx.msk [tilespmem:v34+s15+$0x0], $0xffff;
	[tilespmem:s30+$0xFFFFFFB0] =	vst v12  }
0xb3: {  	v44 =	vor.u32 v6, v10;
	v18 =	vld.idx.msk [tilespmem:v38+s15+$0x0], $0xffff;
	[tilespmem:s30+$0xFFFFFF30] =	vst v39  }
0xb4: {  	v47 =	vor.u32 v5, v14;
	v20 =	vld.idx.msk [tilespmem:v42+s15+$0x0], $0xffff;
	[tilespmem:s30+$0xB0] =	vst v35  }
0xb5: {  	v50 =	vor.u32 v5, v11;
	v45 =	vld.idx.msk [tilespmem:v36+s15+$0x0], $0xffff;
	[tilespmem:s30+$0x30] =	vst v37  }
0xb6: {  	v46 =	vor.u32 v5, v17;
	[tilespmem:s28+$0xFFFFFF50] =	vst v41;
	v21 =	vld.idx.msk [tilespmem:v40+s15+$0x0], $0xffff  }
0xb7: {  	v48 =	vor.u32 v5, v16;
	v49 =	vld.idx.msk [tilespmem:v43+s15+$0x0], $0xffff;
	[tilespmem:s28+$0xF0] =	vst v13  }
0xb8: {  	v51 =	vor.u32 v6, v8;
	v15 =	vld.idx.msk [tilespmem:v44+s15+$0x0], $0xffff;
	[tilespmem:s30+$0xFFFFFFC0] =	vst v18  }
0xb9: {  	v52 =	vor.u32 v7, v9;
	v18 =	vld.idx.msk [tilespmem:v47+s15+$0x0], $0xffff;
	[tilespmem:s30+$0xFFFFFF40] =	vst v20  }
0xba: {  	v54 =	vor.u32 v6, v14;
	v13 =	vld.idx.msk [tilespmem:v50+s15+$0x0], $0xffff;
	[tilespmem:s30+$0xC0] =	vst v45  }
0xbb: {  	v57 =	vor.u32 v6, v11;
	v12 =	vld.idx.msk [tilespmem:v46+s15+$0x0], $0xffff;
	[tilespmem:s30+$0x40] =	vst v21  }
0xbc: {  	v53 =	vor.u32 v6, v17;
	[tilespmem:s28+$0xFFFFFFE0] =	vst v49;
	v21 =	vld.idx.msk [tilespmem:v48+s15+$0x0], $0xffff  }
0xbd: {  	v56 =	vld.idx.msk [tilespmem:v51+s15+$0x0], $0xffff;
	v55 =	vor.u32 v6, v16;
	[tilespmem:s28+$0x60] =	vst v15  }
0xbe: {  	v8 =	vor.u32 v7, v8;
	v9 =	vld.idx.msk [tilespmem:v52+s15+$0x0], $0xffff;
	[tilespmem:s30+$0xFFFFFFD0] =	vst v18  }
0xbf: {  	v58 =	vor.u32 v7, v10;
	v18 =	vld.idx.msk [tilespmem:v54+s15+$0x0], $0xffff;
	[tilespmem:s30+$0xFFFFFF50] =	vst v13  }
0xc0: {  	v60 =	vor.u32 v7, v14;
	v15 =	vld.idx.msk [tilespmem:v57+s15+$0x0], $0xffff;
	[tilespmem:s30+$0xD0] =	vst v12  }
0xc1: {  	v61 =	vor.u32 v7, v11;
	v12 =	vld.idx.msk [tilespmem:v53+s15+$0x0], $0xffff;
	[tilespmem:s30+$0x50] =	vst v21  }
0xc2: {  	v17 =	vor.u32 v7, v17;
	[tilespmem:s28+$0xFFFFFF60] =	vst v56;
	v59 =	vld.idx.msk [tilespmem:v55+s15+$0x0], $0xffff  }
0xc3: {  	v16 =	vor.u32 v7, v16;
	v8 =	vld.idx.msk [tilespmem:v8+s15+$0x0], $0xffff;
	[tilespmem:s28+$0xFFFFFFF0] =	vst v9  }
0xc4: {  	v10 =	vld.idx.msk [tilespmem:v58+s15+$0x0], $0xffff;
	[tilespmem:s30+$0xFFFFFFE0] =	vst v18  }
0xc5: {  	v63 =	vld.idx.msk [tilespmem:v60+s15+$0x0], $0xffff;
	[tilespmem:s30+$0xFFFFFF60] =	vst v15  }
0xc6: {  	v9 =	vld.idx.msk [tilespmem:v61+s15+$0x0], $0xffff;
	[tilespmem:s30+$0xE0] =	vst v12  }
0xc7: {  	v62 =	vld.idx.msk [tilespmem:v17+s15+$0x0], $0xffff;
	[tilespmem:s30+$0x60] =	vst v59  }
0xc8: {  	[tilespmem:s28+$0xFFFFFF70] =	vst v8;
	v13 =	vld.idx.msk [tilespmem:v16+s15+$0x0], $0xffff  }
0xc9: {  	p1 =	sne.s32 s25, $0x18;
	[tilespmem:s28+$0x70] =	vst v10  }
.Ltmp1:
0xca: {  	s31 =	sshll.u32 s25, $0x13;
	[tilespmem:s30+$0xFFFFFFF0] =	vst v63;
	(pc) =	sbr.rel @p1 .LBB2_6-.Ltmp1, $4  }
0xcb: {  	s1 =	sor.u32 s7, s31;
	[tilespmem:s30+$0xFFFFFF70] =	vst v9  }
0xcc: {  	s1 =	sshrl.u32 s1, $0x3;
	[tilespmem:s30+$0xF0] =	vst v62  }
0xcd: {  	s1 =	sadd.s32 s3, s1;
	[tilespmem:s30+$0x70] =	vst v13  }
0xce: {  	[hbm4b:s1+s9] =	stream.strided.scatter [tilespmem:s19], [sflag:$0x3], $0x2000, s10, s9, $0x38;
	[tilespmem:$0xDD00] =	vst v63  }
.Ltmp2:
0xcf: {  	(pc) =	sbr.rel .LBB2_7-.Ltmp2, $4  }
0xd0: {  	_ = 	snop  }
0xd1: {  	_ =	swait.ge [sflag:s20], $0x4000  }
0xd2: {  	[sflag:s20] =	ssyncset.done $0x0  }
0xd3: {  	[sflag:s20] =	ssyncadd.s32 $0xFFFFC000  }
.LBB2_6:
0xd4: {  	s1 =	sshll.u32 s25, $0x8  }
0xd5: {  	s1 =	sand.u32 $0x3FFFFF00, s1  }
0xd6: {  	v8 =	vld [tilespmem:s1+$0x100];
	_ =	sdelay $0x4  }
0xd7: {  	[tilespmem:$0x1C00] =	vst v8  }
0xd8: {  	v8 =	vld [tilespmem:s1+$0x110];
	_ =	sdelay $0x4  }
0xd9: {  	[tilespmem:$0x1C10] =	vst v8  }
0xda: {  	v8 =	vld [tilespmem:s1+$0x120];
	_ =	sdelay $0x4  }
0xdb: {  	[tilespmem:$0x1C20] =	vst v8  }
0xdc: {  	v8 =	vld [tilespmem:s1+$0x130];
	_ =	sdelay $0x4  }
0xdd: {  	[tilespmem:$0x1C30] =	vst v8  }
0xde: {  	v8 =	vld [tilespmem:s1+$0x140];
	_ =	sdelay $0x4  }
0xdf: {  	[tilespmem:$0x1C40] =	vst v8  }
0xe0: {  	v8 =	vld [tilespmem:s1+$0x150];
	_ =	sdelay $0x4  }
0xe1: {  	[tilespmem:$0x1C50] =	vst v8  }
0xe2: {  	v8 =	vld [tilespmem:s1+$0x160];
	_ =	sdelay $0x4  }
0xe3: {  	[tilespmem:$0x1C60] =	vst v8  }
0xe4: {  	v8 =	vld [tilespmem:s1+$0x170];
	_ =	sdelay $0x4  }
.Ltmp3:
0xe5: {  	[tilespmem:$0x1C70] =	vst v8;
	(pc) =	sbr.rel @p0 .LBB2_8-.Ltmp3, $4  }
0xe6: {  	[tilespmem:s15], [sflag:$0x1] =	stream.indirect.gather [hbm4b:s2+s13], $0x80, s14, s13, $0xb8;
	[tilespmem:$0xDD00] =	vst v63  }
0xe7: {  	_ =	swait.ge [sflag:s20], $0x4000  }
0xe8: {  	[sflag:s20] =	ssyncset.done $0x0  }
0xe9: {  	[sflag:s20] =	ssyncadd.s32 $0xFFFFC000  }
.LBB2_7:
0xea: {  	_ =	swait.ge [sflag:s21], $0x2000  }
0xeb: {  	[sflag:s21] =	ssyncset.done $0x0  }
0xec: {  	[sflag:s21] =	ssyncadd.s32 $0xFFFFE000  }
.LBB2_8:
0xed: {  	s1 =	simm.s32 $0x3  }
0xee: {  	s28 =	simm.s32 $0x1;
	v8 =	vmov s1  }
0xef: {  	v9 =	vmov s28;
	s1 =	simm.s32 $0x2;
	v8 =	vand.u32 $0x7F, v8  }
0xf0: {  	v9 =	vand.u32 $0x7D, v9;
	v10 =	vmov s1;
	v14 =	vbroadcast v8, $0x0  }
0xf1: {  	s1 =	simm.s32 $0x0;
	v17 =	vbroadcast v9, $0x0;
	v8 =	vand.u32 $0x7E, v10  }
0xf2: {  	v9 =	vmov s1;
	v16 =	vbroadcast v8, $0x0;
	v8 =	vor.u32 v0, v14  }
0xf3: {  	v9 =	vand.u32 $0x7C, v9;
	v10 =	vor.u32 v0, v17  }
0xf4: {  	v13 =	vbroadcast v9, $0x0;
	v9 =	vor.u32 v0, v16;
	_ =	sdelay $0x1  }
0xf5: {  	v11 =	vor.u32 v0, v13  }
0xf6: {  	v8 =	vld.idx.msk [tilespmem:v8+s17+$0x0], $0xffff  }
0xf7: {  	v12 =	vor.u32 v1, v14;
	v10 =	vld.idx.msk [tilespmem:v10+s17+$0x0], $0xffff  }
0xf8: {  	v15 =	vor.u32 v1, v17;
	v9 =	vld.idx.msk [tilespmem:v9+s17+$0x0], $0xffff  }
0xf9: {  	v18 =	vor.u32 v1, v16  }
0xfa: {  	s29 =	simm.s32 $0xBEF0;
	v11 =	vld.idx.msk [tilespmem:v11+s17+$0x0], $0xffff  }
0xfb: {  	v19 =	vor.u32 v1, v13;
	[tilespmem:s29+$0xFFFFFF90] =	vst v8  }
0xfc: {  	[tilespmem:s29+$0xFFFFFE90] =	vst v10;
	v8 =	vld.idx.msk [tilespmem:v12+s17+$0x0], $0xffff  }
0xfd: {  	v10 =	vld.idx.msk [tilespmem:v15+s17+$0x0], $0xffff;
	[tilespmem:s29+$0xFFFFFF10] =	vst v9;
	v9 =	vor.u32 v2, v14  }
0xfe: {  	v15 =	vor.u32 v2, v17;
	v12 =	vld.idx.msk [tilespmem:v18+s17+$0x0], $0xffff  }
0xff: {  	[tilespmem:s29+$0xFFFFFE10] =	vst v11;
	v11 =	vor.u32 v2, v16  }
0x100: {  	v18 =	vld.idx.msk [tilespmem:v19+s17+$0x0], $0xffff  }
0x101: {  	s1 =	simm.s32 $0x4;
	v19 =	vor.u32 v2, v13;
	[tilespmem:s29+$0xFFFFFFA0] =	vst v8  }
0x102: {  	v8 =	vmov s1;
	[tilespmem:s29+$0xFFFFFEA0] =	vst v10;
	v10 =	vld.idx.msk [tilespmem:v9+s17+$0x0], $0xffff  }
0x103: {  	s1 =	simm.s32 $0x5;
	v8 =	vand.u32 $0x7C, v8;
	v15 =	vld.idx.msk [tilespmem:v15+s17+$0x0], $0xffff;
	[tilespmem:s29+$0xFFFFFF20] =	vst v12;
	v12 =	vor.u32 v3, v14  }
0x104: {  	v20 =	vor.u32 v3, v17;
	v9 =	vmov s1;
	v8 =	vbroadcast v8, $0x0;
	v11 =	vld.idx.msk [tilespmem:v11+s17+$0x0], $0xffff  }
0x105: {  	v9 =	vand.u32 $0x7D, v9;
	[tilespmem:s29+$0xFFFFFE20] =	vst v18;
	v18 =	vor.u32 v3, v16  }
0x106: {  	v9 =	vbroadcast v9, $0x0;
	v19 =	vld.idx.msk [tilespmem:v19+s17+$0x0], $0xffff;
	v21 =	vor.u32 v0, v8  }
0x107: {  	v22 =	vor.u32 v3, v13;
	s1 =	simm.s32 $0x7;
	[tilespmem:s29+$0xFFFFFFB0] =	vst v10  }
0x108: {  	v23 =	vor.u32 v0, v9;
	[tilespmem:s29+$0xFFFFFEB0] =	vst v15;
	v10 =	vmov s1;
	s1 =	simm.s32 $0x6;
	v15 =	vld.idx.msk [tilespmem:v12+s17+$0x0], $0xffff  }
0x109: {  	v20 =	vld.idx.msk [tilespmem:v20+s17+$0x0], $0xffff;
	[tilespmem:s29+$0xFFFFFF30] =	vst v11;
	v11 =	vor.u32 v4, v14;
	v10 =	vand.u32 $0x7F, v10;
	v25 =	vmov s1  }
0x10a: {  	v24 =	vor.u32 v4, v17;
	v18 =	vld.idx.msk [tilespmem:v18+s17+$0x0], $0xffff;
	v12 =	vbroadcast v10, $0x0;
	v10 =	vand.u32 $0x7E, v25  }
0x10b: {  	[tilespmem:s29+$0xFFFFFE30] =	vst v19;
	v19 =	vor.u32 v4, v16;
	v21 =	vld.idx.msk [tilespmem:v21+s17+$0x0], $0xffff;
	v10 =	vbroadcast v10, $0x0  }
0x10c: {  	v22 =	vld.idx.msk [tilespmem:v22+s17+$0x0], $0xffff;
	v25 =	vor.u32 v0, v12  }
0x10d: {  	v23 =	vld.idx.msk [tilespmem:v23+s17+$0x0], $0xffff;
	v26 =	vor.u32 v0, v10;
	[tilespmem:s29+$0xFFFFFFC0] =	vst v15  }
0x10e: {  	s30 =	simm.s32 $0x8;
	v15 =	vor.u32 v4, v13;
	[tilespmem:s29+$0xFFFFFEC0] =	vst v20;
	v20 =	vld.idx.msk [tilespmem:v11+s17+$0x0], $0xffff  }
0x10f: {  	v11 =	vmov s30;
	v24 =	vld.idx.msk [tilespmem:v24+s17+$0x0], $0xffff;
	[tilespmem:s29+$0xFFFFFF40] =	vst v18;
	v18 =	vor.u32 v5, v14  }
0x110: {  	v27 =	vor.u32 v5, v17;
	v11 =	vand.u32 $0x7C, v11;
	v19 =	vld.idx.msk [tilespmem:v19+s17+$0x0], $0xffff  }
0x111: {  	[tilespmem:s29+$0xFFFFFE40] =	vst v22;
	v11 =	vbroadcast v11, $0x0;
	v22 =	vld.idx.msk [tilespmem:v25+s17+$0x0], $0xffff;
	v25 =	vor.u32 v5, v16  }
0x112: {  	v30 =	vor.u32 v1, v12;
	v26 =	vld.idx.msk [tilespmem:v26+s17+$0x0], $0xffff  }
0x113: {  	v28 =	vor.u32 v0, v11;
	v29 =	vld.idx.msk [tilespmem:v15+s17+$0x0], $0xffff;
	[tilespmem:s29+$0xFFFFFFD0] =	vst v20  }
0x114: {  	v20 =	vor.u32 v1, v9;
	[tilespmem:s29+$0xFFFFFED0] =	vst v24;
	v18 =	vld.idx.msk [tilespmem:v18+s17+$0x0], $0xffff  }
0x115: {  	s28 =	simm.s32 $0xC0F0;
	v24 =	vor.u32 v1, v10;
	v27 =	vld.idx.msk [tilespmem:v27+s17+$0x0], $0xffff;
	[tilespmem:s29+$0xFFFFFF50] =	vst v19  }
0x116: {  	v19 =	vld.idx.msk [tilespmem:v25+s17+$0x0], $0xffff;
	v25 =	vor.u32 v6, v14;
	[tilespmem:s28+$0xFFFFFF90] =	vst v22  }
0x117: {  	[tilespmem:s28+$0xFFFFFE90] =	vst v23;
	v23 =	vor.u32 v5, v13;
	v22 =	vld.idx.msk [tilespmem:v30+s17+$0x0], $0xffff  }
0x118: {  	[tilespmem:s28+$0xFFFFFE10] =	vst v21;
	v15 =	vld.idx.msk [tilespmem:v28+s17+$0x0], $0xffff;
	v28 =	vor.u32 v1, v8  }
0x119: {  	[tilespmem:s28+$0xFFFFFF10] =	vst v26;
	v26 =	vor.u32 v6, v17;
	v20 =	vld.idx.msk [tilespmem:v20+s17+$0x0], $0xffff  }
0x11a: {  	v30 =	vor.u32 v2, v12;
	v24 =	vld.idx.msk [tilespmem:v24+s17+$0x0], $0xffff;
	[tilespmem:s29+$0xFFFFFFE0] =	vst v18  }
0x11b: {  	v21 =	vor.u32 v2, v9;
	[tilespmem:s29+$0xFFFFFE50] =	vst v29;
	v25 =	vld.idx.msk [tilespmem:v25+s17+$0x0], $0xffff  }
0x11c: {  	v14 =	vor.u32 v7, v14;
	v23 =	vld.idx.msk [tilespmem:v23+s17+$0x0], $0xffff;
	[tilespmem:s29+$0xFFFFFEE0] =	vst v27  }
0x11d: {  	v31 =	vor.u32 v2, v10;
	[tilespmem:s28+$0xFFFFFFA0] =	vst v22;
	v28 =	vld.idx.msk [tilespmem:v28+s17+$0x0], $0xffff  }
0x11e: {  	v32 =	vor.u32 v6, v13;
	v18 =	vld.idx.msk [tilespmem:v26+s17+$0x0], $0xffff;
	[tilespmem:s28+$0xFFFFFEA0] =	vst v20  }
0x11f: {  	s1 =	simm.s32 $0x9;
	v27 =	vor.u32 v2, v8;
	v20 =	vld.idx.msk [tilespmem:v30+s17+$0x0], $0xffff;
	[tilespmem:s28+$0xFFFFFF20] =	vst v24  }
0x120: {  	v22 =	vor.u32 v6, v16;
	v30 =	vld.idx.msk [tilespmem:v21+s17+$0x0], $0xffff;
	v21 =	vmov s1;
	[tilespmem:s29+$0xFFFFFFF0] =	vst v25  }
0x121: {  	v33 =	vor.u32 v3, v12;
	[tilespmem:s29+$0xFFFFFE60] =	vst v23;
	v26 =	vld.idx.msk [tilespmem:v14+s17+$0x0], $0xffff;
	v14 =	vand.u32 $0x7D, v21  }
0x122: {  	v31 =	vld.idx.msk [tilespmem:v31+s17+$0x0], $0xffff;
	[tilespmem:s28+$0xFFFFFE20] =	vst v28;
	v28 =	vor.u32 v3, v9;
	v14 =	vbroadcast v14, $0x0  }
0x123: {  	v29 =	vor.u32 v3, v10;
	[tilespmem:s29+$0xFFFFFF60] =	vst v19;
	v19 =	vld.idx.msk [tilespmem:v32+s17+$0x0], $0xffff  }
0x124: {  	v24 =	vld.idx.msk [tilespmem:v27+s17+$0x0], $0xffff;
	[tilespmem:s28+$0xFFFFFFB0] =	vst v20;
	v20 =	vor.u32 v0, v14  }
0x125: {  	v21 =	vld.idx.msk [tilespmem:v22+s17+$0x0], $0xffff;
	v27 =	vor.u32 v3, v8  }
0x126: {  	v25 =	vor.u32 v7, v17;
	[tilespmem:s28+$0xFFFFFEB0] =	vst v30;
	v22 =	vld.idx.msk [tilespmem:v33+s17+$0x0], $0xffff  }
0x127: {  	s31 =	simm.s32 $0xC;
	s1 =	simm.s32 $0xB;
	[tilespmem:s28+$0xFFFFFF30] =	vst v31;
	v23 =	vld.idx.msk [tilespmem:v28+s17+$0x0], $0xffff;
	v28 =	vor.u32 v7, v16  }
.LBB2_9:
0x128: {  	p0 =	slt.u32 s31, $0x3C;
	v16 =	vmov s1;
	v17 =	vld.idx.msk [tilespmem:v29+s17+$0x0], $0xffff;
	v29 =	vor.u32 v4, v12;
	[tilespmem:s29+$0x0] =	vst v26  }
0x129: {  	s1 =	sadd.s32 $0x2, s30;
	s30 =	smov.u32 s31;
	v20 =	vld.idx.msk [tilespmem:v20+s17+$0x0], $0xffff;
	v16 =	vand.u32 $0x7F, v16;
	[tilespmem:s28+$0xFFFFFE30] =	vst v24;
	v24 =	vor.u32 v4, v9  }
0x12a: {  	v30 =	vor.u32 v4, v10;
	v26 =	vmov s1;
	v16 =	vbroadcast v16, $0x0;
	v27 =	vld.idx.msk [tilespmem:v27+s17+$0x0], $0xffff;
	[tilespmem:s29+$0xFFFFFEF0] =	vst v18  }
0x12b: {  	v18 =	vand.u32 $0x7E, v26;
	v26 =	vor.u32 v7, v13;
	v13 =	vmovc v8;
	v8 =	vmov v11;
	v25 =	vld.idx.msk [tilespmem:v25+s17+$0x0], $0xffff;
	[tilespmem:s29+$0xFFFFFF70] =	vst v21  }
0x12c: {  	v31 =	vbroadcast v18, $0x0;
	v18 =	vor.u32 v0, v16;
	[tilespmem:s28+$0xFFFFFFC0] =	vst v22;
	v21 =	vld.idx.msk [tilespmem:v28+s17+$0x0], $0xffff  }
0x12d: {  	v22 =	vor.u32 v4, v13;
	[tilespmem:s28+$0xFFFFFEC0] =	vst v23;
	v23 =	vld.idx.msk [tilespmem:v29+s17+$0x0], $0xffff  }
0x12e: {  	v11 =	vmov s31;
	v28 =	vor.u32 v0, v31;
	v24 =	vld.idx.msk [tilespmem:v24+s17+$0x0], $0xffff;
	[tilespmem:s28+$0xFFFFFF40] =	vst v17  }
0x12f: {  	v11 =	vand.u32 $0x7C, v11;
	v29 =	vor.u32 v5, v12;
	v17 =	vld.idx.msk [tilespmem:v30+s17+$0x0], $0xffff;
	[tilespmem:s29+$0xFFFFFE70] =	vst v19  }
0x130: {  	v11 =	vbroadcast v11, $0x0;
	v19 =	vor.u32 v5, v9;
	[tilespmem:s28+$0xFFFFFE40] =	vst v27;
	v26 =	vld.idx.msk [tilespmem:v26+s17+$0x0], $0xffff  }
0x131: {  	v27 =	vor.u32 v5, v10;
	v18 =	vld.idx.msk [tilespmem:v18+s17+$0x0], $0xffff;
	[tilespmem:s29+$0xFFFFFF00] =	vst v25  }
0x132: {  	v25 =	vor.u32 v0, v11;
	v22 =	vld.idx.msk [tilespmem:v22+s17+$0x0], $0xffff;
	[tilespmem:s29+$0xFFFFFF80] =	vst v21  }
0x133: {  	v21 =	vld.idx.msk [tilespmem:v28+s17+$0x0], $0xffff;
	v28 =	vor.u32 v1, v16;
	[tilespmem:s28+$0xFFFFFFD0] =	vst v23  }
0x134: {  	v23 =	vor.u32 v1, v14;
	[tilespmem:s28+$0xFFFFFED0] =	vst v24;
	v24 =	vld.idx.msk [tilespmem:v29+s17+$0x0], $0xffff  }
0x135: {  	v29 =	vor.u32 v1, v31;
	v19 =	vld.idx.msk [tilespmem:v19+s17+$0x0], $0xffff;
	[tilespmem:s28+$0xFFFFFF50] =	vst v17  }
0x136: {  	v17 =	vld.idx.msk [tilespmem:v27+s17+$0x0], $0xffff;
	v27 =	vor.u32 v6, v12;
	[tilespmem:s29+$0xFFFFFE80] =	vst v26;
	s29 =	smov.u32 s28;
	s28 =	sadd.s32 $0x200, s28  }
0x137: {  	v26 =	vor.u32 v1, v8;
	v25 =	vld.idx.msk [tilespmem:v25+s17+$0x0], $0xffff;
	[tilespmem:s28+$0xFFFFFF90] =	vst v18  }
0x138: {  	[tilespmem:s28+$0xFFFFFE90] =	vst v20;
	v18 =	vld.idx.msk [tilespmem:v28+s17+$0x0], $0xffff;
	v20 =	vor.u32 v5, v13  }
0x139: {  	v23 =	vld.idx.msk [tilespmem:v23+s17+$0x0], $0xffff;
	[tilespmem:s28+$0xFFFFFF10] =	vst v21;
	v21 =	vor.u32 v6, v9  }
0x13a: {  	v28 =	vld.idx.msk [tilespmem:v29+s17+$0x0], $0xffff;
	v29 =	vor.u32 v2, v16;
	[tilespmem:s29+$0xFFFFFFE0] =	vst v24  }
0x13b: {  	v24 =	vor.u32 v2, v14;
	[tilespmem:s28+$0xFFFFFE10] =	vst v15;
	v27 =	vld.idx.msk [tilespmem:v27+s17+$0x0], $0xffff  }
0x13c: {  	v30 =	vor.u32 v2, v31;
	v26 =	vld.idx.msk [tilespmem:v26+s17+$0x0], $0xffff;
	[tilespmem:s29+$0xFFFFFE50] =	vst v22  }
0x13d: {  	v15 =	vmov v25;
	v22 =	vld.idx.msk [tilespmem:v20+s17+$0x0], $0xffff;
	[tilespmem:s29+$0xFFFFFEE0] =	vst v19;
	v19 =	vor.u32 v7, v12;
	v12 =	vmov v16  }
0x13e: {  	v16 =	vor.u32 v2, v8;
	[tilespmem:s28+$0xFFFFFFA0] =	vst v18;
	v18 =	vld.idx.msk [tilespmem:v21+s17+$0x0], $0xffff  }
0x13f: {  	s1 =	sadd.s32 $0x1, s31;
	v21 =	vor.u32 v6, v10;
	[tilespmem:s28+$0xFFFFFEA0] =	vst v23;
	v23 =	vld.idx.msk [tilespmem:v29+s17+$0x0], $0xffff  }
0x140: {  	v20 =	vmov s1;
	v25 =	vld.idx.msk [tilespmem:v24+s17+$0x0], $0xffff;
	[tilespmem:s28+$0xFFFFFF20] =	vst v28;
	v28 =	vor.u32 v6, v13  }
0x141: {  	v20 =	vand.u32 $0x7D, v20;
	v32 =	vor.u32 v3, v12;
	v30 =	vld.idx.msk [tilespmem:v30+s17+$0x0], $0xffff;
	[tilespmem:s29+$0xFFFFFFF0] =	vst v27  }
0x142: {  	v34 =	vor.u32 v3, v14;
	v33 =	vbroadcast v20, $0x0;
	[tilespmem:s28+$0xFFFFFE20] =	vst v26;
	v26 =	vld.idx.msk [tilespmem:v19+s17+$0x0], $0xffff  }
.Ltmp4:
0x143: {  	v29 =	vor.u32 v3, v31;
	v24 =	vld.idx.msk [tilespmem:v16+s17+$0x0], $0xffff;
	[tilespmem:s29+$0xFFFFFF60] =	vst v17;
	(pc) =	sbr.rel @p0 .LBB2_9-.Ltmp4, $4  }
0x144: {  	v20 =	vor.u32 v0, v33;
	[tilespmem:s29+$0xFFFFFE60] =	vst v22;
	v21 =	vld.idx.msk [tilespmem:v21+s17+$0x0], $0xffff  }
0x145: {  	v27 =	vor.u32 v3, v8;
	[tilespmem:s28+$0xFFFFFFB0] =	vst v23;
	v19 =	vld.idx.msk [tilespmem:v28+s17+$0x0], $0xffff  }
0x146: {  	[tilespmem:s28+$0xFFFFFEB0] =	vst v25;
	v22 =	vld.idx.msk [tilespmem:v32+s17+$0x0], $0xffff;
	v25 =	vor.u32 v7, v9;
	v9 =	vmov v14;
	v14 =	vmov v33  }
0x147: {  	s31 =	sadd.s32 $0x4, s31;
	s1 =	sadd.s32 $0x3, s30;
	v28 =	vor.u32 v7, v10;
	v10 =	vmov v31;
	v23 =	vld.idx.msk [tilespmem:v34+s17+$0x0], $0xffff;
	[tilespmem:s28+$0xFFFFFF30] =	vst v30  }
0x148: {  	_ = 	snop  }
0x149: {  	[tilespmem:s29+$0x0] =	vst v26  }
0x14a: {  	[tilespmem:s28+$0xFFFFFE30] =	vst v24  }
0x14b: {  	v16 =	vmov s1;
	s30 =	sadd.s32 $0x2, s30;
	[tilespmem:s29+$0xFFFFFEF0] =	vst v18  }
0x14c: {  	v63 =	vld.idx.msk [tilespmem:v29+s17+$0x0], $0xffff;
	v33 =	vor.u32 v4, v12;
	v16 =	vand.u32 $0x7F, v16;
	v30 =	vmov s30;
	[tilespmem:s29+$0xFFFFFF70] =	vst v21  }
0x14d: {  	v34 =	vor.u32 v4, v9;
	v20 =	vld.idx.msk [tilespmem:v20+s17+$0x0], $0xffff;
	s30 =	sadd.s32 $0x200, s28;
	v17 =	vbroadcast v16, $0x0;
	v37 =	vand.u32 $0x7E, v30;
	[tilespmem:s29+$0xFFFFFE70] =	vst v19  }
0x14e: {  	v13 =	vor.u32 v7, v13;
	v35 =	vld.idx.msk [tilespmem:v27+s17+$0x0], $0xffff;
	[tilespmem:s30+$0xFFFFFE10] =	vst v15;
	v16 =	vbroadcast v37, $0x0  }
0x14f: {  	v38 =	vld.idx.msk [tilespmem:v25+s17+$0x0], $0xffff;
	[tilespmem:s28+$0xFFFFFFC0] =	vst v22;
	v39 =	vor.u32 v0, v17  }
0x150: {  	v40 =	vld.idx.msk [tilespmem:v28+s17+$0x0], $0xffff;
	[tilespmem:s28+$0xFFFFFEC0] =	vst v23;
	v42 =	vor.u32 v0, v16  }
0x151: {  	v49 =	vor.u32 v1, v11;
	v41 =	vld.idx.msk [tilespmem:v33+s17+$0x0], $0xffff;
	[tilespmem:s28+$0xFFFFFF40] =	vst v63  }
0x152: {  	v47 =	vor.u32 v1, v14;
	v24 =	vld.idx.msk [tilespmem:v34+s17+$0x0], $0xffff;
	[tilespmem:s30+$0xFFFFFE90] =	vst v20  }
0x153: {  	v36 =	vor.u32 v4, v10;
	v13 =	vld.idx.msk [tilespmem:v13+s17+$0x0], $0xffff;
	[tilespmem:s28+$0xFFFFFE40] =	vst v35  }
0x154: {  	v44 =	vor.u32 v5, v12;
	[tilespmem:s29+$0xFFFFFF00] =	vst v38;
	v25 =	vld.idx.msk [tilespmem:v39+s17+$0x0], $0xffff  }
0x155: {  	v45 =	vor.u32 v1, v17;
	[tilespmem:s29+$0xFFFFFF80] =	vst v40;
	v46 =	vld.idx.msk [tilespmem:v42+s17+$0x0], $0xffff  }
0x156: {  	v48 =	vor.u32 v1, v16;
	v57 =	vld.idx.msk [tilespmem:v49+s17+$0x0], $0xffff;
	[tilespmem:s28+$0xFFFFFFD0] =	vst v41  }
0x157: {  	v50 =	vor.u32 v4, v8;
	v53 =	vld.idx.msk [tilespmem:v47+s17+$0x0], $0xffff;
	[tilespmem:s28+$0xFFFFFED0] =	vst v24  }
0x158: {  	v56 =	vor.u32 v2, v14;
	v43 =	vld.idx.msk [tilespmem:v36+s17+$0x0], $0xffff;
	[tilespmem:s29+$0xFFFFFE80] =	vst v13  }
0x159: {  	v62 =	vor.u32 v5, v10;
	v18 =	vld.idx.msk [tilespmem:v44+s17+$0x0], $0xffff;
	[tilespmem:s30+$0xFFFFFF90] =	vst v25  }
0x15a: {  	v60 =	vor.u32 v2, v11;
	v52 =	vld.idx.msk [tilespmem:v45+s17+$0x0], $0xffff;
	[tilespmem:s30+$0xFFFFFF10] =	vst v46  }
0x15b: {  	v54 =	vor.u32 v2, v17;
	[tilespmem:s30+$0xFFFFFE20] =	vst v57;
	v55 =	vld.idx.msk [tilespmem:v48+s17+$0x0], $0xffff  }
0x15c: {  	v58 =	vor.u32 v2, v16;
	v59 =	vld.idx.msk [tilespmem:v50+s17+$0x0], $0xffff;
	[tilespmem:s30+$0xFFFFFEA0] =	vst v53  }
0x15d: {  	v33 =	vor.u32 v5, v8;
	[tilespmem:s28+$0xFFFFFF50] =	vst v43;
	v15 =	vld.idx.msk [tilespmem:v56+s17+$0x0], $0xffff  }
0x15e: {  	v61 =	vor.u32 v6, v12;
	v20 =	vld.idx.msk [tilespmem:v62+s17+$0x0], $0xffff;
	[tilespmem:s28+$0xFFFFFFE0] =	vst v18  }
0x15f: {  	v29 =	vor.u32 v3, v14;
	v18 =	vld.idx.msk [tilespmem:v60+s17+$0x0], $0xffff;
	[tilespmem:s30+$0xFFFFFFA0] =	vst v52  }
0x160: {  	v32 =	vor.u32 v3, v11;
	v63 =	vld.idx.msk [tilespmem:v54+s17+$0x0], $0xffff;
	[tilespmem:s30+$0xFFFFFF20] =	vst v55  }
0x161: {  	v28 =	vor.u32 v3, v17;
	[tilespmem:s28+$0xFFFFFE50] =	vst v59;
	v19 =	vld.idx.msk [tilespmem:v58+s17+$0x0], $0xffff  }
0x162: {  	v30 =	vor.u32 v3, v16;
	v41 =	vld.idx.msk [tilespmem:v33+s17+$0x0], $0xffff;
	[tilespmem:s30+$0xFFFFFEB0] =	vst v15  }
0x163: {  	v51 =	vor.u32 v5, v9;
	v31 =	vld.idx.msk [tilespmem:v61+s17+$0x0], $0xffff;
	[tilespmem:s28+$0xFFFFFF60] =	vst v20  }
0x164: {  	v34 =	vor.u32 v7, v12;
	v13 =	vld.idx.msk [tilespmem:v29+s17+$0x0], $0xffff;
	[tilespmem:s30+$0xFFFFFE30] =	vst v18  }
0x165: {  	v38 =	vor.u32 v4, v14;
	v39 =	vld.idx.msk [tilespmem:v32+s17+$0x0], $0xffff;
	[tilespmem:s30+$0xFFFFFFB0] =	vst v63  }
0x166: {  	v42 =	vor.u32 v4, v11;
	v35 =	vld.idx.msk [tilespmem:v28+s17+$0x0], $0xffff;
	[tilespmem:s30+$0xFFFFFF30] =	vst v19  }
0x167: {  	v36 =	vor.u32 v4, v17;
	[tilespmem:s28+$0xFFFFFE60] =	vst v41;
	v37 =	vld.idx.msk [tilespmem:v30+s17+$0x0], $0xffff  }
0x168: {  	v40 =	vor.u32 v4, v16;
	v25 =	vld.idx.msk [tilespmem:v51+s17+$0x0], $0xffff;
	[tilespmem:s28+$0xFFFFFFF0] =	vst v31  }
0x169: {  	v44 =	vor.u32 v6, v10;
	v12 =	vld.idx.msk [tilespmem:v34+s17+$0x0], $0xffff;
	[tilespmem:s30+$0xFFFFFEC0] =	vst v13  }
0x16a: {  	v43 =	vor.u32 v6, v9;
	v18 =	vld.idx.msk [tilespmem:v38+s17+$0x0], $0xffff;
	[tilespmem:s30+$0xFFFFFE40] =	vst v39  }
0x16b: {  	v47 =	vor.u32 v5, v14;
	v20 =	vld.idx.msk [tilespmem:v42+s17+$0x0], $0xffff;
	[tilespmem:s30+$0xFFFFFFC0] =	vst v35  }
0x16c: {  	v50 =	vor.u32 v5, v11;
	v45 =	vld.idx.msk [tilespmem:v36+s17+$0x0], $0xffff;
	[tilespmem:s30+$0xFFFFFF40] =	vst v37  }
0x16d: {  	v46 =	vor.u32 v5, v17;
	[tilespmem:s28+$0xFFFFFEE0] =	vst v25;
	v21 =	vld.idx.msk [tilespmem:v40+s17+$0x0], $0xffff  }
0x16e: {  	v48 =	vor.u32 v5, v16;
	v15 =	vld.idx.msk [tilespmem:v44+s17+$0x0], $0xffff;
	[tilespmem:s28+$0x0] =	vst v12  }
0x16f: {  	v51 =	vor.u32 v6, v8;
	v49 =	vld.idx.msk [tilespmem:v43+s17+$0x0], $0xffff;
	[tilespmem:s30+$0xFFFFFED0] =	vst v18  }
0x170: {  	v52 =	vor.u32 v7, v9;
	v18 =	vld.idx.msk [tilespmem:v47+s17+$0x0], $0xffff;
	[tilespmem:s30+$0xFFFFFE50] =	vst v20  }
0x171: {  	v54 =	vor.u32 v6, v14;
	v12 =	vld.idx.msk [tilespmem:v50+s17+$0x0], $0xffff;
	[tilespmem:s30+$0xFFFFFFD0] =	vst v45  }
0x172: {  	v57 =	vor.u32 v6, v11;
	v13 =	vld.idx.msk [tilespmem:v46+s17+$0x0], $0xffff;
	[tilespmem:s30+$0xFFFFFF50] =	vst v21  }
0x173: {  	v53 =	vor.u32 v6, v17;
	[tilespmem:s28+$0xFFFFFF70] =	vst v15;
	v21 =	vld.idx.msk [tilespmem:v48+s17+$0x0], $0xffff  }
0x174: {  	v56 =	vld.idx.msk [tilespmem:v51+s17+$0x0], $0xffff;
	v55 =	vor.u32 v6, v16;
	[tilespmem:s28+$0xFFFFFEF0] =	vst v49  }
0x175: {  	v8 =	vor.u32 v7, v8;
	v9 =	vld.idx.msk [tilespmem:v52+s17+$0x0], $0xffff;
	[tilespmem:s30+$0xFFFFFEE0] =	vst v18  }
0x176: {  	v58 =	vor.u32 v7, v10;
	v18 =	vld.idx.msk [tilespmem:v54+s17+$0x0], $0xffff;
	[tilespmem:s30+$0xFFFFFE60] =	vst v12  }
0x177: {  	v60 =	vor.u32 v7, v14;
	v15 =	vld.idx.msk [tilespmem:v57+s17+$0x0], $0xffff;
	[tilespmem:s30+$0xFFFFFFE0] =	vst v13  }
0x178: {  	v61 =	vor.u32 v7, v11;
	v13 =	vld.idx.msk [tilespmem:v53+s17+$0x0], $0xffff;
	[tilespmem:s30+$0xFFFFFF60] =	vst v21  }
0x179: {  	v17 =	vor.u32 v7, v17;
	[tilespmem:s28+$0xFFFFFE70] =	vst v56;
	v59 =	vld.idx.msk [tilespmem:v55+s17+$0x0], $0xffff  }
0x17a: {  	v16 =	vor.u32 v7, v16;
	v8 =	vld.idx.msk [tilespmem:v8+s17+$0x0], $0xffff;
	[tilespmem:s28+$0xFFFFFF00] =	vst v9  }
0x17b: {  	v10 =	vld.idx.msk [tilespmem:v58+s17+$0x0], $0xffff;
	[tilespmem:s30+$0xFFFFFEF0] =	vst v18  }
0x17c: {  	v63 =	vld.idx.msk [tilespmem:v60+s17+$0x0], $0xffff;
	[tilespmem:s30+$0xFFFFFE70] =	vst v15  }
0x17d: {  	v9 =	vld.idx.msk [tilespmem:v61+s17+$0x0], $0xffff;
	[tilespmem:s30+$0xFFFFFFF0] =	vst v13  }
0x17e: {  	v62 =	vld.idx.msk [tilespmem:v17+s17+$0x0], $0xffff;
	[tilespmem:s30+$0xFFFFFF70] =	vst v59  }
0x17f: {  	s25 =	sadd.s32 $0x1, s25;
	[tilespmem:s28+$0xFFFFFE80] =	vst v8;
	v12 =	vld.idx.msk [tilespmem:v16+s17+$0x0], $0xffff  }
0x180: {  	p0 =	sne.s32 s25, $0x19;
	[tilespmem:s28+$0xFFFFFF80] =	vst v10  }
.Ltmp5:
0x181: {  	s31 =	sshll.u32 s26, $0x12;
	[tilespmem:s30+$0xFFFFFF00] =	vst v63;
	(pc) =	sbr.rel @p0 .LBB2_2-.Ltmp5, $4  }
0x182: {  	s1 =	sor.u32 s7, s31;
	[tilespmem:s30+$0xFFFFFE80] =	vst v9  }
0x183: {  	s1 =	sshrl.u32 s1, $0x3;
	[tilespmem:s30+$0x0] =	vst v62  }
0x184: {  	s1 =	sadd.s32 s3, s1;
	[tilespmem:s30+$0xFFFFFF80] =	vst v12  }
0x185: {  	[hbm4b:s1+s9] =	stream.strided.scatter [tilespmem:s22], [sflag:$0x4], $0x2000, s10, s9, $0x38;
	[tilespmem:$0xDD00] =	vst v63  }
0x186: {  	s24 =	sadd.s32 $0x1, s24  }
0x187: {  	_ =	swait.ge [sflag:s23], $0x2000;
	p0 =	sne.s32 s24, s8  }
.Ltmp6:
0x188: {  	[sflag:s23] =	ssyncset.done $0x0;
	(pc) =	sbr.rel @p0 .LBB2_1-.Ltmp6, $4  }
0x189: {  	[sflag:s23] =	ssyncadd.s32 $0xFFFFE000  }
0x18a: {  	_ =	swait.ge [sflag:s21], $0x2000  }
0x18b: {  	[sflag:s21] =	ssyncset.done $0x0  }
0x18c: {  	[sflag:s21] =	ssyncadd.s32 $0xFFFFE000  }
0x18d: {  	_ =	sfence.sel $0x180000  }
0x18e: {  	[bflag:$0x0] =	sbarrier.arrive $0xFFFF  }
0x18f: {  	_ =	strace $0x90000047  }
0x190: {  	[bflag:$0x2] =	sbarrier.arrive $0xFFFF  }
0x191: {  	p0 =	sne.s32 s0, $0x0;
	s0 =	rddreg [dreg:$0x3]  }
0x192: {  	s0 =	sadd.s32 @!p0 $0x100000, s0  }
0x193: {  	[sflag:s0] =	ssyncadd.tile.s32 @!p0 $0x1;
	_ =	shalt  }
.Lfunc_end2:
_tile_overlayer_lowered:
.L_overlay_start_2:
0x194: {  	(tag) =	ssettag $0x2  }
0x195: {  	s0 =	rddreg [dreg:$0x0];
	s2 =	stileid.u32  }
0x196: {  	s1 =	rddreg [dreg:$0x1];
	p0 =	sne.s32 s2, $0x0  }
0x197: {  	s3 =	rddreg [dreg:$0x2];
	[bflag:$0x3] =	sbarrier.arrive $0xFFFF;
	s2 =	simm.s32 @!p0 $0x1C05  }
0x198: {  	[timem:s3], [sflag:s2] =	dma.local @!p0 [hbm:s0], s1  }
0x199: {  	s0 =	simm.s32 @!p0 $0x5  }
0x19a: {  	_ =	swait.ge @!p0 [sflag:s0], s1  }
0x19b: {  	s1 =	ssub.s32 @!p0 $0x0, s1;
	[sflag:s0] =	ssyncset.done @!p0 $0x0  }
0x19c: {  	[sflag:s0] =	ssyncadd.s32 @!p0 s1  }
0x19d: {  	[bflag:$0x3] =	sbarrier.arrive $0xFFFF  }
0x19e: {  	_ =	shalt  }

</sc_bundles>
